<compile_context>
chip_gen: v7x
topology: tpu7x:2x2x1
jax: 0.10.2.dev20260603
libtpu: 0.0.44.dev20260713+nightly
codegen_flags: <defaults>
</compile_context>

<pallas_src>
import functools

import jax
import jax.numpy as jnp
from jax import lax
from jax.experimental import pallas as pl
from jax.experimental.pallas import tpu as pltpu
from jax.experimental.pallas import tpu_sc as plsc

_B, _M, _S, _E, _V = 1024, 50, 20, 32, 100000
_NW = 32
_CR = 500
_NC = (_B * _M * _S) // (_NW * _CR)
_TOTC = _B * _M * _S // _CR
_JG = 4
_GSZ = _CR // _JG
_NBUF = 4
_BB = 16
_R128 = _M * _S * _E // 128


def _position_encoding(sent_size, emb_size):
    j = jnp.arange(1, sent_size + 1, dtype=jnp.float32)[:, None]
    k = jnp.arange(1, emb_size + 1, dtype=jnp.float32)[None, :]
    return (1.0 - j / sent_size) - (k / emb_size) * (1.0 - 2.0 * j / sent_size)


def _sc_body(x_hbm, w_hbm, g_hbm, idx_v, bbuf_v, isems, gsems, ssems):
    wid = lax.axis_index("s") * 2 + lax.axis_index("c")
    c_base = wid * _NC

    def issue_idx(c, b):
        pltpu.async_copy(x_hbm.at[c_base + c], idx_v.at[b], isems[b])

    def wait_idx(b):
        pltpu.make_async_copy(x_hbm.at[0], idx_v.at[b], isems[b]).wait()

    def issue_gathers(c, b):
        for j in range(_JG):
            pltpu.async_copy(w_hbm.at[idx_v.at[b, j]],
                             bbuf_v.at[b, pl.ds(j * _GSZ, _GSZ)], gsems[b])

    def wait_gathers(b):
        pltpu.make_async_copy(w_hbm.at[pl.ds(0, _CR)], bbuf_v.at[b],
                              gsems[b]).wait()

    def wait_scatter(c, b):
        pltpu.make_async_copy(bbuf_v.at[b], g_hbm.at[c_base + c],
                              ssems[b]).wait()

    for c0 in range(_NBUF):
        issue_idx(c0, c0)
    wait_idx(0)
    issue_gathers(0, 0)

    def phase(c, b):
        b1 = (b + 1) % _NBUF

        wait_gathers(b)

        @pl.when(c + _NBUF < _NC)
        def _():
            issue_idx(c + _NBUF, b)

        pltpu.async_copy(bbuf_v.at[b], g_hbm.at[c_base + c], ssems[b])

        @pl.when(c + 1 < _NC)
        def _():
            wait_idx(b1)

            @pl.when(c + 1 >= _NBUF)
            def _():
                wait_scatter(c + 1 - _NBUF, b1)

            issue_gathers(c + 1, b1)

    def chunk_body(t, _):
        for jb in range(_NBUF):
            phase(t * _NBUF + jb, jb)
        return 0

    lax.fori_loop(0, _NC // _NBUF, chunk_body, 0)

    for c in range(_NC - _NBUF, _NC):
        wait_scatter(c, c % _NBUF)


def _tc_body(g_ref, pef_ref, tff_ref, out_ref):
    out_ref[...] = (g_ref[...].astype(jnp.float32) * pef_ref[None]
                    + tff_ref[None])


@jax.jit
def kernel(x, W_emb, W_temp):
    pe = _position_encoding(_S, _E)
    x3 = x.reshape(_TOTC, _JG, _GSZ).astype(jnp.int32)
    w_bf = W_emb.astype(jnp.bfloat16)

    mesh = plsc.VectorSubcoreMesh(core_axis_name="c", subcore_axis_name="s")
    gather_rows = pl.kernel(
        _sc_body,
        out_type=jax.ShapeDtypeStruct((_TOTC, _CR, _E), jnp.bfloat16),
        mesh=mesh,
        scratch_types=[
            pltpu.VMEM((_NBUF, _JG, _GSZ), jnp.int32),
            pltpu.VMEM((_NBUF, _CR, _E), jnp.bfloat16),
            [pltpu.SemaphoreType.DMA] * _NBUF,
            [pltpu.SemaphoreType.DMA] * _NBUF,
            [pltpu.SemaphoreType.DMA] * _NBUF,
        ],
        compiler_params=pltpu.CompilerParams(use_tc_tiling_on_sc=False),
    )
    g = gather_rows(x3, w_bf).reshape(_B, _R128, 128)

    pef = jnp.broadcast_to(pe[None, :, :], (_M, _S, _E)).reshape(-1, 128)
    tff = jnp.broadcast_to(W_temp[:, None, :], (_M, _S, _E)).reshape(-1, 128)

    out = pl.pallas_call(
        _tc_body,
        out_shape=jax.ShapeDtypeStruct((_B, _R128, 128), jnp.float32),
        grid=(_B // _BB,),
        in_specs=[
            pl.BlockSpec((_BB, _R128, 128), lambda i: (i, 0, 0)),
            pl.BlockSpec((_R128, 128), lambda i: (0, 0)),
            pl.BlockSpec((_R128, 128), lambda i: (0, 0)),
        ],
        out_specs=pl.BlockSpec((_BB, _R128, 128), lambda i: (i, 0, 0)),
    )(g, pef, tff)
    return out.reshape(_B, _M, _S, _E)

# --- scband reference (transcript-rebuilt; emitter-appended) ---
"""Pipeline reference for scband-memory-60163901882521 (READ-ONLY COPY).

The authoritative reference and input builder live on the scoring server;
editing this copy changes nothing except your own understanding.
"""

import jax, jax.numpy as jnp
import numpy as np

B, M, S, E, V = 1024, 50, 20, 32, 100000

def _position_encoding(sent_size, emb_size):
    # MemN2N position encoding: l_jk = (1 - j/J) - (k/d)*(1 - 2j/J)
    j = jnp.arange(1, sent_size + 1, dtype=jnp.float32)[:, None]
    k = jnp.arange(1, emb_size + 1, dtype=jnp.float32)[None, :]
    return (1.0 - j / sent_size) - (k / emb_size) * (1.0 - 2.0 * j / sent_size)

def setup_inputs(seed: int = 0) -> dict:
    key = jax.random.key(seed)
    k1, k2, k3 = jax.random.split(key, 3)
    x = jax.random.randint(k1, (B, M, S), 0, V)
    W_emb = jax.random.normal(k2, (V, E), dtype=jnp.float32) * 0.05
    W_temp = jax.random.normal(k3, (M, E), dtype=jnp.float32) * 0.05
    return {"x": x, "W_emb": W_emb, "W_temp": W_temp}

def reference(x, W_emb, W_temp):
    # position_encoding(x) * embedding(x) + temporal_encoding(x)
    pe = _position_encoding(S, E)                      # [S, E]
    emb = jnp.take(W_emb, x, axis=0)                   # [B, M, S, E] gather
    temp = W_temp[None, :, None, :]                    # [1, M, 1, E] temporal embedding per memory slot
    out = pe[None, None, :, :] * emb + temp            # [B, M, S, E]
    return out

if __name__ == "__main__":
    import jax
    _d = setup_inputs()
    print(jax.jit(kernel)(*tuple(_d.values())))

</pallas_src>

<mosaic_0001>
#map = affine_map<(d0, d1) -> (0, 0, 0)>
#map1 = affine_map<(d0, d1) -> (0, 0)>
module attributes {stable_mosaic.version = 14 : i64} {
  func.func @_sc_body(%arg0: i32, %arg1: i32, %arg2: memref<2048x4x125xi32, #tpu.memory_space<hbm>>, %arg3: memref<100000x32xbf16, #tpu.memory_space<hbm>>, %arg4: memref<2048x500x32xbf16, #tpu.memory_space<hbm>>, %arg5: memref<4x4x125xi32, #tpu.memory_space<vmem>>, %arg6: memref<4x500x32xbf16, #tpu.memory_space<vmem>>, %arg7: memref<!tpu.dma_semaphore, #tpu.memory_space<semaphore_mem>>, %arg8: memref<!tpu.dma_semaphore, #tpu.memory_space<semaphore_mem>>, %arg9: memref<!tpu.dma_semaphore, #tpu.memory_space<semaphore_mem>>, %arg10: memref<!tpu.dma_semaphore, #tpu.memory_space<semaphore_mem>>, %arg11: memref<!tpu.dma_semaphore, #tpu.memory_space<semaphore_mem>>, %arg12: memref<!tpu.dma_semaphore, #tpu.memory_space<semaphore_mem>>, %arg13: memref<!tpu.dma_semaphore, #tpu.memory_space<semaphore_mem>>, %arg14: memref<!tpu.dma_semaphore, #tpu.memory_space<semaphore_mem>>, %arg15: memref<!tpu.dma_semaphore, #tpu.memory_space<semaphore_mem>>, %arg16: memref<!tpu.dma_semaphore, #tpu.memory_space<semaphore_mem>>, %arg17: memref<!tpu.dma_semaphore, #tpu.memory_space<semaphore_mem>>, %arg18: memref<!tpu.dma_semaphore, #tpu.memory_space<semaphore_mem>>) attributes {dimension_semantics = [#tpu.dimension_semantics<core_parallel>, #tpu.dimension_semantics<subcore_parallel>], iteration_bounds = array<i64: 2, 16>, scalar_prefetch = 0 : i64, scratch_operands = 14 : i64, tpu.core_type = #tpu.core_type<sc_vector_subcore>, window_params = [{transform_indices = #map}, {transform_indices = #map1}, {transform_indices = #map}]} {
    %mul3A = arith.constant 2 : i32
    %mul3A_0 = arith.muli %arg1, %mul3A : i32
    %add3A = arith.addi %mul3A_0, %arg0 : i32
    %mul3A_1 = arith.constant 64 : i32
    %mul3A_2 = arith.muli %add3A, %mul3A_1 : i32
    %add3A_3 = arith.constant 0 : i32
    %add3A_4 = arith.addi %mul3A_2, %add3A_3 : i32
    %dma_start3A = arith.constant 0 : i32
    %dma_start3A_5 = arith.constant 0 : i32
    %dma_start3A_6 = arith.constant 0 : i32
    %dma_start3A_7 = tpu.memref_slice %arg5[%dma_start3A, %dma_start3A_5, %dma_start3A_6] : memref<4x4x125xi32, #tpu.memory_space<vmem>> -> memref<1x4x125xi32, #tpu.memory_space<vmem>>
    %dma_start3A_8 = tpu.memref_squeeze %dma_start3A_7 : memref<1x4x125xi32, #tpu.memory_space<vmem>> -> memref<4x125xi32, #tpu.memory_space<vmem>>
    %dma_start3A_9 = arith.constant 0 : i32
    %dma_start3A_10 = arith.constant 0 : i32
    %dma_start3A_11 = tpu.memref_slice %arg2[%add3A_4, %dma_start3A_9, %dma_start3A_10] : memref<2048x4x125xi32, #tpu.memory_space<hbm>> -> memref<1x4x125xi32, #tpu.memory_space<hbm>>
    %dma_start3A_12 = tpu.memref_squeeze %dma_start3A_11 : memref<1x4x125xi32, #tpu.memory_space<hbm>> -> memref<4x125xi32, #tpu.memory_space<hbm>>
    %dma_start3A_13 = arith.constant 0 : i32
    %dma_start3A_14 = arith.constant 0 : i32
    %dma_start3A_15 = tpu.memref_slice %arg5[%dma_start3A, %dma_start3A_13, %dma_start3A_14] : memref<4x4x125xi32, #tpu.memory_space<vmem>> -> memref<1x4x125xi32, #tpu.memory_space<vmem>>
    %dma_start3A_16 = tpu.memref_squeeze %dma_start3A_15 : memref<1x4x125xi32, #tpu.memory_space<vmem>> -> memref<4x125xi32, #tpu.memory_space<vmem>>
    %dma_start3A_17 = arith.constant 0 : i32
    %dma_start3A_18 = arith.constant 0 : i32
    %dma_start3A_19 = tpu.memref_slice %arg2[%add3A_4, %dma_start3A_17, %dma_start3A_18] : memref<2048x4x125xi32, #tpu.memory_space<hbm>> -> memref<1x4x125xi32, #tpu.memory_space<hbm>>
    %dma_start3A_20 = tpu.memref_squeeze %dma_start3A_19 : memref<1x4x125xi32, #tpu.memory_space<hbm>> -> memref<4x125xi32, #tpu.memory_space<hbm>>
    tpu.enqueue_dma source(%dma_start3A_20 : memref<4x125xi32, #tpu.memory_space<hbm>>) target(%dma_start3A_16 : memref<4x125xi32, #tpu.memory_space<vmem>>) target_semaphore(%arg7 : memref<!tpu.dma_semaphore, #tpu.memory_space<semaphore_mem>>)
    %add3A_21 = arith.constant 1 : i32
    %add3A_22 = arith.addi %mul3A_2, %add3A_21 : i32
    %dma_start3A_23 = arith.constant 1 : i32
    %dma_start3A_24 = arith.constant 0 : i32
    %dma_start3A_25 = arith.constant 0 : i32
    %dma_start3A_26 = tpu.memref_slice %arg5[%dma_start3A_23, %dma_start3A_24, %dma_start3A_25] : memref<4x4x125xi32, #tpu.memory_space<vmem>> -> memref<1x4x125xi32, #tpu.memory_space<vmem>>
    %dma_start3A_27 = tpu.memref_squeeze %dma_start3A_26 : memref<1x4x125xi32, #tpu.memory_space<vmem>> -> memref<4x125xi32, #tpu.memory_space<vmem>>
    %dma_start3A_28 = arith.constant 0 : i32
    %dma_start3A_29 = arith.constant 0 : i32
    %dma_start3A_30 = tpu.memref_slice %arg2[%add3A_22, %dma_start3A_28, %dma_start3A_29] : memref<2048x4x125xi32, #tpu.memory_space<hbm>> -> memref<1x4x125xi32, #tpu.memory_space<hbm>>
    %dma_start3A_31 = tpu.memref_squeeze %dma_start3A_30 : memref<1x4x125xi32, #tpu.memory_space<hbm>> -> memref<4x125xi32, #tpu.memory_space<hbm>>
    %dma_start3A_32 = arith.constant 0 : i32
    %dma_start3A_33 = arith.constant 0 : i32
    %dma_start3A_34 = tpu.memref_slice %arg5[%dma_start3A_23, %dma_start3A_32, %dma_start3A_33] : memref<4x4x125xi32, #tpu.memory_space<vmem>> -> memref<1x4x125xi32, #tpu.memory_space<vmem>>
    %dma_start3A_35 = tpu.memref_squeeze %dma_start3A_34 : memref<1x4x125xi32, #tpu.memory_space<vmem>> -> memref<4x125xi32, #tpu.memory_space<vmem>>
    %dma_start3A_36 = arith.constant 0 : i32
    %dma_start3A_37 = arith.constant 0 : i32
    %dma_start3A_38 = tpu.memref_slice %arg2[%add3A_22, %dma_start3A_36, %dma_start3A_37] : memref<2048x4x125xi32, #tpu.memory_space<hbm>> -> memref<1x4x125xi32, #tpu.memory_space<hbm>>
    %dma_start3A_39 = tpu.memref_squeeze %dma_start3A_38 : memref<1x4x125xi32, #tpu.memory_space<hbm>> -> memref<4x125xi32, #tpu.memory_space<hbm>>
    tpu.enqueue_dma source(%dma_start3A_39 : memref<4x125xi32, #tpu.memory_space<hbm>>) target(%dma_start3A_35 : memref<4x125xi32, #tpu.memory_space<vmem>>) target_semaphore(%arg8 : memref<!tpu.dma_semaphore, #tpu.memory_space<semaphore_mem>>)
    %add3A_40 = arith.constant 2 : i32
    %add3A_41 = arith.addi %mul3A_2, %add3A_40 : i32
    %dma_start3A_42 = arith.constant 2 : i32
    %dma_start3A_43 = arith.constant 0 : i32
    %dma_start3A_44 = arith.constant 0 : i32
    %dma_start3A_45 = tpu.memref_slice %arg5[%dma_start3A_42, %dma_start3A_43, %dma_start3A_44] : memref<4x4x125xi32, #tpu.memory_space<vmem>> -> memref<1x4x125xi32, #tpu.memory_space<vmem>>
    %dma_start3A_46 = tpu.memref_squeeze %dma_start3A_45 : memref<1x4x125xi32, #tpu.memory_space<vmem>> -> memref<4x125xi32, #tpu.memory_space<vmem>>
    %dma_start3A_47 = arith.constant 0 : i32
    %dma_start3A_48 = arith.constant 0 : i32
    %dma_start3A_49 = tpu.memref_slice %arg2[%add3A_41, %dma_start3A_47, %dma_start3A_48] : memref<2048x4x125xi32, #tpu.memory_space<hbm>> -> memref<1x4x125xi32, #tpu.memory_space<hbm>>
    %dma_start3A_50 = tpu.memref_squeeze %dma_start3A_49 : memref<1x4x125xi32, #tpu.memory_space<hbm>> -> memref<4x125xi32, #tpu.memory_space<hbm>>
    %dma_start3A_51 = arith.constant 0 : i32
    %dma_start3A_52 = arith.constant 0 : i32
    %dma_start3A_53 = tpu.memref_slice %arg5[%dma_start3A_42, %dma_start3A_51, %dma_start3A_52] : memref<4x4x125xi32, #tpu.memory_space<vmem>> -> memref<1x4x125xi32, #tpu.memory_space<vmem>>
    %dma_start3A_54 = tpu.memref_squeeze %dma_start3A_53 : memref<1x4x125xi32, #tpu.memory_space<vmem>> -> memref<4x125xi32, #tpu.memory_space<vmem>>
    %dma_start3A_55 = arith.constant 0 : i32
    %dma_start3A_56 = arith.constant 0 : i32
    %dma_start3A_57 = tpu.memref_slice %arg2[%add3A_41, %dma_start3A_55, %dma_start3A_56] : memref<2048x4x125xi32, #tpu.memory_space<hbm>> -> memref<1x4x125xi32, #tpu.memory_space<hbm>>
    %dma_start3A_58 = tpu.memref_squeeze %dma_start3A_57 : memref<1x4x125xi32, #tpu.memory_space<hbm>> -> memref<4x125xi32, #tpu.memory_space<hbm>>
    tpu.enqueue_dma source(%dma_start3A_58 : memref<4x125xi32, #tpu.memory_space<hbm>>) target(%dma_start3A_54 : memref<4x125xi32, #tpu.memory_space<vmem>>) target_semaphore(%arg9 : memref<!tpu.dma_semaphore, #tpu.memory_space<semaphore_mem>>)
    %add3A_59 = arith.constant 3 : i32
    %add3A_60 = arith.addi %mul3A_2, %add3A_59 : i32
    %dma_start3A_61 = arith.constant 3 : i32
    %dma_start3A_62 = arith.constant 0 : i32
    %dma_start3A_63 = arith.constant 0 : i32
    %dma_start3A_64 = tpu.memref_slice %arg5[%dma_start3A_61, %dma_start3A_62, %dma_start3A_63] : memref<4x4x125xi32, #tpu.memory_space<vmem>> -> memref<1x4x125xi32, #tpu.memory_space<vmem>>
    %dma_start3A_65 = tpu.memref_squeeze %dma_start3A_64 : memref<1x4x125xi32, #tpu.memory_space<vmem>> -> memref<4x125xi32, #tpu.memory_space<vmem>>
    %dma_start3A_66 = arith.constant 0 : i32
    %dma_start3A_67 = arith.constant 0 : i32
    %dma_start3A_68 = tpu.memref_slice %arg2[%add3A_60, %dma_start3A_66, %dma_start3A_67] : memref<2048x4x125xi32, #tpu.memory_space<hbm>> -> memref<1x4x125xi32, #tpu.memory_space<hbm>>
    %dma_start3A_69 = tpu.memref_squeeze %dma_start3A_68 : memref<1x4x125xi32, #tpu.memory_space<hbm>> -> memref<4x125xi32, #tpu.memory_space<hbm>>
    %dma_start3A_70 = arith.constant 0 : i32
    %dma_start3A_71 = arith.constant 0 : i32
    %dma_start3A_72 = tpu.memref_slice %arg5[%dma_start3A_61, %dma_start3A_70, %dma_start3A_71] : memref<4x4x125xi32, #tpu.memory_space<vmem>> -> memref<1x4x125xi32, #tpu.memory_space<vmem>>
    %dma_start3A_73 = tpu.memref_squeeze %dma_start3A_72 : memref<1x4x125xi32, #tpu.memory_space<vmem>> -> memref<4x125xi32, #tpu.memory_space<vmem>>
    %dma_start3A_74 = arith.constant 0 : i32
    %dma_start3A_75 = arith.constant 0 : i32
    %dma_start3A_76 = tpu.memref_slice %arg2[%add3A_60, %dma_start3A_74, %dma_start3A_75] : memref<2048x4x125xi32, #tpu.memory_space<hbm>> -> memref<1x4x125xi32, #tpu.memory_space<hbm>>
    %dma_start3A_77 = tpu.memref_squeeze %dma_start3A_76 : memref<1x4x125xi32, #tpu.memory_space<hbm>> -> memref<4x125xi32, #tpu.memory_space<hbm>>
    tpu.enqueue_dma source(%dma_start3A_77 : memref<4x125xi32, #tpu.memory_space<hbm>>) target(%dma_start3A_73 : memref<4x125xi32, #tpu.memory_space<vmem>>) target_semaphore(%arg10 : memref<!tpu.dma_semaphore, #tpu.memory_space<semaphore_mem>>)
    %dma_wait3A = arith.constant 0 : i32
    %dma_wait3A_78 = arith.constant 0 : i32
    %dma_wait3A_79 = arith.constant 0 : i32
    %dma_wait3A_80 = arith.constant 0 : i32
    %dma_wait3A_81 = tpu.memref_slice %arg5[%dma_wait3A_78, %dma_wait3A_79, %dma_wait3A_80] : memref<4x4x125xi32, #tpu.memory_space<vmem>> -> memref<1x4x125xi32, #tpu.memory_space<vmem>>
    %dma_wait3A_82 = tpu.memref_squeeze %dma_wait3A_81 : memref<1x4x125xi32, #tpu.memory_space<vmem>> -> memref<4x125xi32, #tpu.memory_space<vmem>>
    %dma_wait3A_83 = arith.constant 0 : i32
    %dma_wait3A_84 = arith.constant 0 : i32
    %dma_wait3A_85 = tpu.memref_slice %arg2[%dma_wait3A, %dma_wait3A_83, %dma_wait3A_84] : memref<2048x4x125xi32, #tpu.memory_space<hbm>> -> memref<1x4x125xi32, #tpu.memory_space<hbm>>
    %dma_wait3A_86 = tpu.memref_squeeze %dma_wait3A_85 : memref<1x4x125xi32, #tpu.memory_space<hbm>> -> memref<4x125xi32, #tpu.memory_space<hbm>>
    %dma_wait3A_87 = arith.constant 0 : i32
    %dma_wait3A_88 = arith.constant 0 : i32
    %dma_wait3A_89 = tpu.memref_slice %arg5[%dma_wait3A_78, %dma_wait3A_87, %dma_wait3A_88] : memref<4x4x125xi32, #tpu.memory_space<vmem>> -> memref<1x4x125xi32, #tpu.memory_space<vmem>>
    %dma_wait3A_90 = tpu.memref_squeeze %dma_wait3A_89 : memref<1x4x125xi32, #tpu.memory_space<vmem>> -> memref<4x125xi32, #tpu.memory_space<vmem>>
    %dma_wait3A_91 = arith.constant 0 : i32
    %dma_wait3A_92 = arith.constant 0 : i32
    %dma_wait3A_93 = tpu.memref_slice %arg2[%dma_wait3A, %dma_wait3A_91, %dma_wait3A_92] : memref<2048x4x125xi32, #tpu.memory_space<hbm>> -> memref<1x4x125xi32, #tpu.memory_space<hbm>>
    %dma_wait3A_94 = tpu.memref_squeeze %dma_wait3A_93 : memref<1x4x125xi32, #tpu.memory_space<hbm>> -> memref<4x125xi32, #tpu.memory_space<hbm>>
    tpu.wait_dma2 semaphore(%arg7 : memref<!tpu.dma_semaphore, #tpu.memory_space<semaphore_mem>>) src(%dma_wait3A_94 : memref<4x125xi32, #tpu.memory_space<hbm>>) dst(%dma_wait3A_90 : memref<4x125xi32, #tpu.memory_space<vmem>>)
    %dma_start3A_95 = arith.constant 0 : i32
    %dma_start3A_96 = arith.constant 0 : i32
    %dma_start3A_97 = arith.constant 0 : i32
    %dma_start3A_98 = arith.constant 0 : i32
    %dma_start3A_99 = arith.constant 0 : i32
    %dma_start3A_100 = tpu.memref_slice %arg6[%dma_start3A_97, %dma_start3A_98, %dma_start3A_99] : memref<4x500x32xbf16, #tpu.memory_space<vmem>> -> memref<1x125x32xbf16, #tpu.memory_space<vmem>>
    %dma_start3A_101 = tpu.memref_squeeze %dma_start3A_100 : memref<1x125x32xbf16, #tpu.memory_space<vmem>> -> memref<125x32xbf16, #tpu.memory_space<vmem>>
    %dma_start3A_102 = arith.constant 0 : i32
    %dma_start3A_103 = tpu.memref_slice %arg5[%dma_start3A_95, %dma_start3A_96, %dma_start3A_102] : memref<4x4x125xi32, #tpu.memory_space<vmem>> -> memref<1x1x125xi32, #tpu.memory_space<vmem>>
    %dma_start3A_104 = tpu.memref_squeeze %dma_start3A_103 : memref<1x1x125xi32, #tpu.memory_space<vmem>> -> memref<125xi32, #tpu.memory_space<vmem>>
    %dma_start3A_105 = arith.constant 0 : i32
    %dma_start3A_106 = arith.constant 0 : i32
    %dma_start3A_107 = tpu.memref_slice %arg3[%dma_start3A_105, %dma_start3A_106] : memref<100000x32xbf16, #tpu.memory_space<hbm>> -> memref<100000x32xbf16, #tpu.memory_space<hbm>>
    tpu.enqueue_indirect_dma source(%dma_start3A_107 : memref<100000x32xbf16, #tpu.memory_space<hbm>>) target(%dma_start3A_101 : memref<125x32xbf16, #tpu.memory_space<vmem>>) offsets(%dma_start3A_104 : memref<125xi32, #tpu.memory_space<vmem>>) semaphore(%arg11 : memref<!tpu.dma_semaphore, #tpu.memory_space<semaphore_mem>>)
    %dma_start3A_108 = arith.constant 0 : i32
    %dma_start3A_109 = arith.constant 1 : i32
    %dma_start3A_110 = arith.constant 0 : i32
    %dma_start3A_111 = arith.constant 125 : i32
    %dma_start3A_112 = arith.constant 0 : i32
    %dma_start3A_113 = tpu.memref_slice %arg6[%dma_start3A_110, %dma_start3A_111, %dma_start3A_112] : memref<4x500x32xbf16, #tpu.memory_space<vmem>> -> memref<1x125x32xbf16, #tpu.memory_space<vmem>>
    %dma_start3A_114 = tpu.memref_squeeze %dma_start3A_113 : memref<1x125x32xbf16, #tpu.memory_space<vmem>> -> memref<125x32xbf16, #tpu.memory_space<vmem>>
    %dma_start3A_115 = arith.constant 0 : i32
    %dma_start3A_116 = tpu.memref_slice %arg5[%dma_start3A_108, %dma_start3A_109, %dma_start3A_115] : memref<4x4x125xi32, #tpu.memory_space<vmem>> -> memref<1x1x125xi32, #tpu.memory_space<vmem>>
    %dma_start3A_117 = tpu.memref_squeeze %dma_start3A_116 : memref<1x1x125xi32, #tpu.memory_space<vmem>> -> memref<125xi32, #tpu.memory_space<vmem>>
    %dma_start3A_118 = arith.constant 0 : i32
    %dma_start3A_119 = arith.constant 0 : i32
    %dma_start3A_120 = tpu.memref_slice %arg3[%dma_start3A_118, %dma_start3A_119] : memref<100000x32xbf16, #tpu.memory_space<hbm>> -> memref<100000x32xbf16, #tpu.memory_space<hbm>>
    tpu.enqueue_indirect_dma source(%dma_start3A_120 : memref<100000x32xbf16, #tpu.memory_space<hbm>>) target(%dma_start3A_114 : memref<125x32xbf16, #tpu.memory_space<vmem>>) offsets(%dma_start3A_117 : memref<125xi32, #tpu.memory_space<vmem>>) semaphore(%arg11 : memref<!tpu.dma_semaphore, #tpu.memory_space<semaphore_mem>>)
    %dma_start3A_121 = arith.constant 0 : i32
    %dma_start3A_122 = arith.constant 2 : i32
    %dma_start3A_123 = arith.constant 0 : i32
    %dma_start3A_124 = arith.constant 250 : i32
    %dma_start3A_125 = arith.constant 0 : i32
    %dma_start3A_126 = tpu.memref_slice %arg6[%dma_start3A_123, %dma_start3A_124, %dma_start3A_125] : memref<4x500x32xbf16, #tpu.memory_space<vmem>> -> memref<1x125x32xbf16, #tpu.memory_space<vmem>>
    %dma_start3A_127 = tpu.memref_squeeze %dma_start3A_126 : memref<1x125x32xbf16, #tpu.memory_space<vmem>> -> memref<125x32xbf16, #tpu.memory_space<vmem>>
    %dma_start3A_128 = arith.constant 0 : i32
    %dma_start3A_129 = tpu.memref_slice %arg5[%dma_start3A_121, %dma_start3A_122, %dma_start3A_128] : memref<4x4x125xi32, #tpu.memory_space<vmem>> -> memref<1x1x125xi32, #tpu.memory_space<vmem>>
    %dma_start3A_130 = tpu.memref_squeeze %dma_start3A_129 : memref<1x1x125xi32, #tpu.memory_space<vmem>> -> memref<125xi32, #tpu.memory_space<vmem>>
    %dma_start3A_131 = arith.constant 0 : i32
    %dma_start3A_132 = arith.constant 0 : i32
    %dma_start3A_133 = tpu.memref_slice %arg3[%dma_start3A_131, %dma_start3A_132] : memref<100000x32xbf16, #tpu.memory_space<hbm>> -> memref<100000x32xbf16, #tpu.memory_space<hbm>>
    tpu.enqueue_indirect_dma source(%dma_start3A_133 : memref<100000x32xbf16, #tpu.memory_space<hbm>>) target(%dma_start3A_127 : memref<125x32xbf16, #tpu.memory_space<vmem>>) offsets(%dma_start3A_130 : memref<125xi32, #tpu.memory_space<vmem>>) semaphore(%arg11 : memref<!tpu.dma_semaphore, #tpu.memory_space<semaphore_mem>>)
    %dma_start3A_134 = arith.constant 0 : i32
    %dma_start3A_135 = arith.constant 3 : i32
    %dma_start3A_136 = arith.constant 0 : i32
    %dma_start3A_137 = arith.constant 375 : i32
    %dma_start3A_138 = arith.constant 0 : i32
    %dma_start3A_139 = tpu.memref_slice %arg6[%dma_start3A_136, %dma_start3A_137, %dma_start3A_138] : memref<4x500x32xbf16, #tpu.memory_space<vmem>> -> memref<1x125x32xbf16, #tpu.memory_space<vmem>>
    %dma_start3A_140 = tpu.memref_squeeze %dma_start3A_139 : memref<1x125x32xbf16, #tpu.memory_space<vmem>> -> memref<125x32xbf16, #tpu.memory_space<vmem>>
    %dma_start3A_141 = arith.constant 0 : i32
    %dma_start3A_142 = tpu.memref_slice %arg5[%dma_start3A_134, %dma_start3A_135, %dma_start3A_141] : memref<4x4x125xi32, #tpu.memory_space<vmem>> -> memref<1x1x125xi32, #tpu.memory_space<vmem>>
    %dma_start3A_143 = tpu.memref_squeeze %dma_start3A_142 : memref<1x1x125xi32, #tpu.memory_space<vmem>> -> memref<125xi32, #tpu.memory_space<vmem>>
    %dma_start3A_144 = arith.constant 0 : i32
    %dma_start3A_145 = arith.constant 0 : i32
    %dma_start3A_146 = tpu.memref_slice %arg3[%dma_start3A_144, %dma_start3A_145] : memref<100000x32xbf16, #tpu.memory_space<hbm>> -> memref<100000x32xbf16, #tpu.memory_space<hbm>>
    tpu.enqueue_indirect_dma source(%dma_start3A_146 : memref<100000x32xbf16, #tpu.memory_space<hbm>>) target(%dma_start3A_140 : memref<125x32xbf16, #tpu.memory_space<vmem>>) offsets(%dma_start3A_143 : memref<125xi32, #tpu.memory_space<vmem>>) semaphore(%arg11 : memref<!tpu.dma_semaphore, #tpu.memory_space<semaphore_mem>>)
    %scan3A = arith.constant 0 : i32
    %scan3A_147 = arith.constant 0 : i32
    %scan3A_148 = arith.constant 16 : i32
    %scan3A_149 = arith.addi %scan3A_147, %scan3A_148 : i32
    %scan3A_150 = arith.constant 1 : i32
    %scan3A_151 = scf.for %scan3A_229 = %scan3A_147 to %scan3A_149 step %scan3A_150 iter_args(%scan3A_230 = %scan3A) -> (i32)  : i32 {
      %mul3A_231 = arith.constant 4 : i32
      %mul3A_232 = arith.muli %scan3A_229, %mul3A_231 : i32
      %add3A_233 = arith.constant 0 : i32
      %add3A_234 = arith.addi %mul3A_232, %add3A_233 : i32
      %dma_wait3A_235 = arith.constant 0 : i32
      %dma_wait3A_236 = arith.constant 0 : i32
      %dma_wait3A_237 = arith.constant 0 : i32
      %dma_wait3A_238 = tpu.memref_slice %arg6[%dma_wait3A_235, %dma_wait3A_236, %dma_wait3A_237] : memref<4x500x32xbf16, #tpu.memory_space<vmem>> -> memref<1x500x32xbf16, #tpu.memory_space<vmem>>
      %dma_wait3A_239 = tpu.memref_squeeze %dma_wait3A_238 : memref<1x500x32xbf16, #tpu.memory_space<vmem>> -> memref<500x32xbf16, #tpu.memory_space<vmem>>
      %dma_wait3A_240 = arith.constant 0 : i32
      %dma_wait3A_241 = arith.constant 0 : i32
      %dma_wait3A_242 = tpu.memref_slice %arg3[%dma_wait3A_240, %dma_wait3A_241] : memref<100000x32xbf16, #tpu.memory_space<hbm>> -> memref<500x32xbf16, #tpu.memory_space<hbm>>
      %dma_wait3A_243 = arith.constant 0 : i32
      %dma_wait3A_244 = arith.constant 0 : i32
      %dma_wait3A_245 = tpu.memref_slice %arg6[%dma_wait3A_235, %dma_wait3A_243, %dma_wait3A_244] : memref<4x500x32xbf16, #tpu.memory_space<vmem>> -> memref<1x500x32xbf16, #tpu.memory_space<vmem>>
      %dma_wait3A_246 = tpu.memref_squeeze %dma_wait3A_245 : memref<1x500x32xbf16, #tpu.memory_space<vmem>> -> memref<500x32xbf16, #tpu.memory_space<vmem>>
      %dma_wait3A_247 = arith.constant 0 : i32
      %dma_wait3A_248 = arith.constant 0 : i32
      %dma_wait3A_249 = tpu.memref_slice %arg3[%dma_wait3A_247, %dma_wait3A_248] : memref<100000x32xbf16, #tpu.memory_space<hbm>> -> memref<500x32xbf16, #tpu.memory_space<hbm>>
      tpu.wait_dma2 semaphore(%arg11 : memref<!tpu.dma_semaphore, #tpu.memory_space<semaphore_mem>>) src(%dma_wait3A_249 : memref<500x32xbf16, #tpu.memory_space<hbm>>) dst(%dma_wait3A_246 : memref<500x32xbf16, #tpu.memory_space<vmem>>)
      %add3A_250 = arith.constant 4 : i32
      %add3A_251 = arith.addi %add3A_234, %add3A_250 : i32
      %lt3A = arith.constant 64 : i32
      %lt3A_252 = arith.cmpi slt, %add3A_251, %lt3A : i32
      %convert_element_type3A = arith.extui %lt3A_252 : i1 to i32
      %cond3A = arith.constant 0 : i32
      %cond3A_253 = arith.cmpi ne, %convert_element_type3A, %cond3A : i32
      scf.if %cond3A_253 {
        %add3A_433 = arith.constant 4 : i32
        %add3A_434 = arith.addi %add3A_234, %add3A_433 : i32
        %add3A_435 = arith.addi %mul3A_2, %add3A_434 : i32
        %dma_start3A_436 = arith.constant 0 : i32
        %dma_start3A_437 = arith.constant 0 : i32
        %dma_start3A_438 = arith.constant 0 : i32
        %dma_start3A_439 = tpu.memref_slice %arg5[%dma_start3A_436, %dma_start3A_437, %dma_start3A_438] : memref<4x4x125xi32, #tpu.memory_space<vmem>> -> memref<1x4x125xi32, #tpu.memory_space<vmem>>
        %dma_start3A_440 = tpu.memref_squeeze %dma_start3A_439 : memref<1x4x125xi32, #tpu.memory_space<vmem>> -> memref<4x125xi32, #tpu.memory_space<vmem>>
        %dma_start3A_441 = arith.constant 0 : i32
        %dma_start3A_442 = arith.constant 0 : i32
        %dma_start3A_443 = tpu.memref_slice %arg2[%add3A_435, %dma_start3A_441, %dma_start3A_442] : memref<2048x4x125xi32, #tpu.memory_space<hbm>> -> memref<1x4x125xi32, #tpu.memory_space<hbm>>
        %dma_start3A_444 = tpu.memref_squeeze %dma_start3A_443 : memref<1x4x125xi32, #tpu.memory_space<hbm>> -> memref<4x125xi32, #tpu.memory_space<hbm>>
        %dma_start3A_445 = arith.constant 0 : i32
        %dma_start3A_446 = arith.constant 0 : i32
        %dma_start3A_447 = tpu.memref_slice %arg5[%dma_start3A_436, %dma_start3A_445, %dma_start3A_446] : memref<4x4x125xi32, #tpu.memory_space<vmem>> -> memref<1x4x125xi32, #tpu.memory_space<vmem>>
        %dma_start3A_448 = tpu.memref_squeeze %dma_start3A_447 : memref<1x4x125xi32, #tpu.memory_space<vmem>> -> memref<4x125xi32, #tpu.memory_space<vmem>>
        %dma_start3A_449 = arith.constant 0 : i32
        %dma_start3A_450 = arith.constant 0 : i32
        %dma_start3A_451 = tpu.memref_slice %arg2[%add3A_435, %dma_start3A_449, %dma_start3A_450] : memref<2048x4x125xi32, #tpu.memory_space<hbm>> -> memref<1x4x125xi32, #tpu.memory_space<hbm>>
        %dma_start3A_452 = tpu.memref_squeeze %dma_start3A_451 : memref<1x4x125xi32, #tpu.memory_space<hbm>> -> memref<4x125xi32, #tpu.memory_space<hbm>>
        tpu.enqueue_dma source(%dma_start3A_452 : memref<4x125xi32, #tpu.memory_space<hbm>>) target(%dma_start3A_448 : memref<4x125xi32, #tpu.memory_space<vmem>>) target_semaphore(%arg7 : memref<!tpu.dma_semaphore, #tpu.memory_space<semaphore_mem>>)
      } else {
      }
      %add3A_254 = arith.addi %mul3A_2, %add3A_234 : i32
      %dma_start3A_255 = arith.constant 0 : i32
      %dma_start3A_256 = arith.constant 0 : i32
      %dma_start3A_257 = arith.constant 0 : i32
      %dma_start3A_258 = tpu.memref_slice %arg6[%dma_start3A_255, %dma_start3A_256, %dma_start3A_257] : memref<4x500x32xbf16, #tpu.memory_space<vmem>> -> memref<1x500x32xbf16, #tpu.memory_space<vmem>>
      %dma_start3A_259 = tpu.memref_squeeze %dma_start3A_258 : memref<1x500x32xbf16, #tpu.memory_space<vmem>> -> memref<500x32xbf16, #tpu.memory_space<vmem>>
      %dma_start3A_260 = arith.constant 0 : i32
      %dma_start3A_261 = arith.constant 0 : i32
      %dma_start3A_262 = tpu.memref_slice %arg4[%add3A_254, %dma_start3A_260, %dma_start3A_261] : memref<2048x500x32xbf16, #tpu.memory_space<hbm>> -> memref<1x500x32xbf16, #tpu.memory_space<hbm>>
      %dma_start3A_263 = tpu.memref_squeeze %dma_start3A_262 : memref<1x500x32xbf16, #tpu.memory_space<hbm>> -> memref<500x32xbf16, #tpu.memory_space<hbm>>
      %dma_start3A_264 = arith.constant 0 : i32
      %dma_start3A_265 = arith.constant 0 : i32
      %dma_start3A_266 = tpu.memref_slice %arg4[%add3A_254, %dma_start3A_264, %dma_start3A_265] : memref<2048x500x32xbf16, #tpu.memory_space<hbm>> -> memref<1x500x32xbf16, #tpu.memory_space<hbm>>
      %dma_start3A_267 = tpu.memref_squeeze %dma_start3A_266 : memref<1x500x32xbf16, #tpu.memory_space<hbm>> -> memref<500x32xbf16, #tpu.memory_space<hbm>>
      %dma_start3A_268 = arith.constant 0 : i32
      %dma_start3A_269 = arith.constant 0 : i32
      %dma_start3A_270 = tpu.memref_slice %arg6[%dma_start3A_255, %dma_start3A_268, %dma_start3A_269] : memref<4x500x32xbf16, #tpu.memory_space<vmem>> -> memref<1x500x32xbf16, #tpu.memory_space<vmem>>
      %dma_start3A_271 = tpu.memref_squeeze %dma_start3A_270 : memref<1x500x32xbf16, #tpu.memory_space<vmem>> -> memref<500x32xbf16, #tpu.memory_space<vmem>>
      tpu.enqueue_dma source(%dma_start3A_271 : memref<500x32xbf16, #tpu.memory_space<vmem>>) target(%dma_start3A_267 : memref<500x32xbf16, #tpu.memory_space<hbm>>) target_semaphore(%arg15 : memref<!tpu.dma_semaphore, #tpu.memory_space<semaphore_mem>>)
      %add3A_272 = arith.constant 1 : i32
      %add3A_273 = arith.addi %add3A_234, %add3A_272 : i32
      %lt3A_274 = arith.constant 64 : i32
      %lt3A_275 = arith.cmpi slt, %add3A_273, %lt3A_274 : i32
      %convert_element_type3A_276 = arith.extui %lt3A_275 : i1 to i32
      %cond3A_277 = arith.constant 0 : i32
      %cond3A_278 = arith.cmpi ne, %convert_element_type3A_276, %cond3A_277 : i32
      scf.if %cond3A_278 {
        %dma_wait3A_433 = arith.constant 0 : i32
        %dma_wait3A_434 = arith.constant 1 : i32
        %dma_wait3A_435 = arith.constant 0 : i32
        %dma_wait3A_436 = arith.constant 0 : i32
        %dma_wait3A_437 = tpu.memref_slice %arg5[%dma_wait3A_434, %dma_wait3A_435, %dma_wait3A_436] : memref<4x4x125xi32, #tpu.memory_space<vmem>> -> memref<1x4x125xi32, #tpu.memory_space<vmem>>
        %dma_wait3A_438 = tpu.memref_squeeze %dma_wait3A_437 : memref<1x4x125xi32, #tpu.memory_space<vmem>> -> memref<4x125xi32, #tpu.memory_space<vmem>>
        %dma_wait3A_439 = arith.constant 0 : i32
        %dma_wait3A_440 = arith.constant 0 : i32
        %dma_wait3A_441 = tpu.memref_slice %arg2[%dma_wait3A_433, %dma_wait3A_439, %dma_wait3A_440] : memref<2048x4x125xi32, #tpu.memory_space<hbm>> -> memref<1x4x125xi32, #tpu.memory_space<hbm>>
        %dma_wait3A_442 = tpu.memref_squeeze %dma_wait3A_441 : memref<1x4x125xi32, #tpu.memory_space<hbm>> -> memref<4x125xi32, #tpu.memory_space<hbm>>
        %dma_wait3A_443 = arith.constant 0 : i32
        %dma_wait3A_444 = arith.constant 0 : i32
        %dma_wait3A_445 = tpu.memref_slice %arg5[%dma_wait3A_434, %dma_wait3A_443, %dma_wait3A_444] : memref<4x4x125xi32, #tpu.memory_space<vmem>> -> memref<1x4x125xi32, #tpu.memory_space<vmem>>
        %dma_wait3A_446 = tpu.memref_squeeze %dma_wait3A_445 : memref<1x4x125xi32, #tpu.memory_space<vmem>> -> memref<4x125xi32, #tpu.memory_space<vmem>>
        %dma_wait3A_447 = arith.constant 0 : i32
        %dma_wait3A_448 = arith.constant 0 : i32
        %dma_wait3A_449 = tpu.memref_slice %arg2[%dma_wait3A_433, %dma_wait3A_447, %dma_wait3A_448] : memref<2048x4x125xi32, #tpu.memory_space<hbm>> -> memref<1x4x125xi32, #tpu.memory_space<hbm>>
        %dma_wait3A_450 = tpu.memref_squeeze %dma_wait3A_449 : memref<1x4x125xi32, #tpu.memory_space<hbm>> -> memref<4x125xi32, #tpu.memory_space<hbm>>
        tpu.wait_dma2 semaphore(%arg8 : memref<!tpu.dma_semaphore, #tpu.memory_space<semaphore_mem>>) src(%dma_wait3A_450 : memref<4x125xi32, #tpu.memory_space<hbm>>) dst(%dma_wait3A_446 : memref<4x125xi32, #tpu.memory_space<vmem>>)
        %add3A_451 = arith.constant 1 : i32
        %add3A_452 = arith.addi %add3A_234, %add3A_451 : i32
        %ge3A = arith.constant 4 : i32
        %ge3A_453 = arith.cmpi sge, %add3A_452, %ge3A : i32
        %convert_element_type3A_454 = arith.extui %ge3A_453 : i1 to i32
        %cond3A_455 = arith.constant 0 : i32
        %cond3A_456 = arith.cmpi ne, %convert_element_type3A_454, %cond3A_455 : i32
        scf.if %cond3A_456 {
          %add3A_511 = arith.constant 1 : i32
          %add3A_512 = arith.addi %add3A_234, %add3A_511 : i32
          %sub3A = arith.constant 4 : i32
          %sub3A_513 = arith.subi %add3A_512, %sub3A : i32
          %add3A_514 = arith.addi %mul3A_2, %sub3A_513 : i32
          %dma_wait3A_515 = arith.constant 1 : i32
          %dma_wait3A_516 = arith.constant 0 : i32
          %dma_wait3A_517 = arith.constant 0 : i32
          %dma_wait3A_518 = tpu.memref_slice %arg6[%dma_wait3A_515, %dma_wait3A_516, %dma_wait3A_517] : memref<4x500x32xbf16, #tpu.memory_space<vmem>> -> memref<1x500x32xbf16, #tpu.memory_space<vmem>>
          %dma_wait3A_519 = tpu.memref_squeeze %dma_wait3A_518 : memref<1x500x32xbf16, #tpu.memory_space<vmem>> -> memref<500x32xbf16, #tpu.memory_space<vmem>>
          %dma_wait3A_520 = arith.constant 0 : i32
          %dma_wait3A_521 = arith.constant 0 : i32
          %dma_wait3A_522 = tpu.memref_slice %arg4[%add3A_514, %dma_wait3A_520, %dma_wait3A_521] : memref<2048x500x32xbf16, #tpu.memory_space<hbm>> -> memref<1x500x32xbf16, #tpu.memory_space<hbm>>
          %dma_wait3A_523 = tpu.memref_squeeze %dma_wait3A_522 : memref<1x500x32xbf16, #tpu.memory_space<hbm>> -> memref<500x32xbf16, #tpu.memory_space<hbm>>
          %dma_wait3A_524 = arith.constant 0 : i32
          %dma_wait3A_525 = arith.constant 0 : i32
          %dma_wait3A_526 = tpu.memref_slice %arg4[%add3A_514, %dma_wait3A_524, %dma_wait3A_525] : memref<2048x500x32xbf16, #tpu.memory_space<hbm>> -> memref<1x500x32xbf16, #tpu.memory_space<hbm>>
          %dma_wait3A_527 = tpu.memref_squeeze %dma_wait3A_526 : memref<1x500x32xbf16, #tpu.memory_space<hbm>> -> memref<500x32xbf16, #tpu.memory_space<hbm>>
          %dma_wait3A_528 = arith.constant 0 : i32
          %dma_wait3A_529 = arith.constant 0 : i32
          %dma_wait3A_530 = tpu.memref_slice %arg6[%dma_wait3A_515, %dma_wait3A_528, %dma_wait3A_529] : memref<4x500x32xbf16, #tpu.memory_space<vmem>> -> memref<1x500x32xbf16, #tpu.memory_space<vmem>>
          %dma_wait3A_531 = tpu.memref_squeeze %dma_wait3A_530 : memref<1x500x32xbf16, #tpu.memory_space<vmem>> -> memref<500x32xbf16, #tpu.memory_space<vmem>>
          tpu.wait_dma2 semaphore(%arg16 : memref<!tpu.dma_semaphore, #tpu.memory_space<semaphore_mem>>) src(%dma_wait3A_531 : memref<500x32xbf16, #tpu.memory_space<vmem>>) dst(%dma_wait3A_527 : memref<500x32xbf16, #tpu.memory_space<hbm>>)
        } else {
        }
        %add3A_457 = arith.constant 1 : i32
        %add3A_458 = arith.addi %add3A_234, %add3A_457 : i32
        %dma_start3A_459 = arith.constant 1 : i32
        %dma_start3A_460 = arith.constant 0 : i32
        %dma_start3A_461 = arith.constant 1 : i32
        %dma_start3A_462 = arith.constant 0 : i32
        %dma_start3A_463 = arith.constant 0 : i32
        %dma_start3A_464 = tpu.memref_slice %arg6[%dma_start3A_461, %dma_start3A_462, %dma_start3A_463] : memref<4x500x32xbf16, #tpu.memory_space<vmem>> -> memref<1x125x32xbf16, #tpu.memory_space<vmem>>
        %dma_start3A_465 = tpu.memref_squeeze %dma_start3A_464 : memref<1x125x32xbf16, #tpu.memory_space<vmem>> -> memref<125x32xbf16, #tpu.memory_space<vmem>>
        %dma_start3A_466 = arith.constant 0 : i32
        %dma_start3A_467 = tpu.memref_slice %arg5[%dma_start3A_459, %dma_start3A_460, %dma_start3A_466] : memref<4x4x125xi32, #tpu.memory_space<vmem>> -> memref<1x1x125xi32, #tpu.memory_space<vmem>>
        %dma_start3A_468 = tpu.memref_squeeze %dma_start3A_467 : memref<1x1x125xi32, #tpu.memory_space<vmem>> -> memref<125xi32, #tpu.memory_space<vmem>>
        %dma_start3A_469 = arith.constant 0 : i32
        %dma_start3A_470 = arith.constant 0 : i32
        %dma_start3A_471 = tpu.memref_slice %arg3[%dma_start3A_469, %dma_start3A_470] : memref<100000x32xbf16, #tpu.memory_space<hbm>> -> memref<100000x32xbf16, #tpu.memory_space<hbm>>
        tpu.enqueue_indirect_dma source(%dma_start3A_471 : memref<100000x32xbf16, #tpu.memory_space<hbm>>) target(%dma_start3A_465 : memref<125x32xbf16, #tpu.memory_space<vmem>>) offsets(%dma_start3A_468 : memref<125xi32, #tpu.memory_space<vmem>>) semaphore(%arg12 : memref<!tpu.dma_semaphore, #tpu.memory_space<semaphore_mem>>)
        %dma_start3A_472 = arith.constant 1 : i32
        %dma_start3A_473 = arith.constant 1 : i32
        %dma_start3A_474 = arith.constant 1 : i32
        %dma_start3A_475 = arith.constant 125 : i32
        %dma_start3A_476 = arith.constant 0 : i32
        %dma_start3A_477 = tpu.memref_slice %arg6[%dma_start3A_474, %dma_start3A_475, %dma_start3A_476] : memref<4x500x32xbf16, #tpu.memory_space<vmem>> -> memref<1x125x32xbf16, #tpu.memory_space<vmem>>
        %dma_start3A_478 = tpu.memref_squeeze %dma_start3A_477 : memref<1x125x32xbf16, #tpu.memory_space<vmem>> -> memref<125x32xbf16, #tpu.memory_space<vmem>>
        %dma_start3A_479 = arith.constant 0 : i32
        %dma_start3A_480 = tpu.memref_slice %arg5[%dma_start3A_472, %dma_start3A_473, %dma_start3A_479] : memref<4x4x125xi32, #tpu.memory_space<vmem>> -> memref<1x1x125xi32, #tpu.memory_space<vmem>>
        %dma_start3A_481 = tpu.memref_squeeze %dma_start3A_480 : memref<1x1x125xi32, #tpu.memory_space<vmem>> -> memref<125xi32, #tpu.memory_space<vmem>>
        %dma_start3A_482 = arith.constant 0 : i32
        %dma_start3A_483 = arith.constant 0 : i32
        %dma_start3A_484 = tpu.memref_slice %arg3[%dma_start3A_482, %dma_start3A_483] : memref<100000x32xbf16, #tpu.memory_space<hbm>> -> memref<100000x32xbf16, #tpu.memory_space<hbm>>
        tpu.enqueue_indirect_dma source(%dma_start3A_484 : memref<100000x32xbf16, #tpu.memory_space<hbm>>) target(%dma_start3A_478 : memref<125x32xbf16, #tpu.memory_space<vmem>>) offsets(%dma_start3A_481 : memref<125xi32, #tpu.memory_space<vmem>>) semaphore(%arg12 : memref<!tpu.dma_semaphore, #tpu.memory_space<semaphore_mem>>)
        %dma_start3A_485 = arith.constant 1 : i32
        %dma_start3A_486 = arith.constant 2 : i32
        %dma_start3A_487 = arith.constant 1 : i32
        %dma_start3A_488 = arith.constant 250 : i32
        %dma_start3A_489 = arith.constant 0 : i32
        %dma_start3A_490 = tpu.memref_slice %arg6[%dma_start3A_487, %dma_start3A_488, %dma_start3A_489] : memref<4x500x32xbf16, #tpu.memory_space<vmem>> -> memref<1x125x32xbf16, #tpu.memory_space<vmem>>
        %dma_start3A_491 = tpu.memref_squeeze %dma_start3A_490 : memref<1x125x32xbf16, #tpu.memory_space<vmem>> -> memref<125x32xbf16, #tpu.memory_space<vmem>>
        %dma_start3A_492 = arith.constant 0 : i32
        %dma_start3A_493 = tpu.memref_slice %arg5[%dma_start3A_485, %dma_start3A_486, %dma_start3A_492] : memref<4x4x125xi32, #tpu.memory_space<vmem>> -> memref<1x1x125xi32, #tpu.memory_space<vmem>>
        %dma_start3A_494 = tpu.memref_squeeze %dma_start3A_493 : memref<1x1x125xi32, #tpu.memory_space<vmem>> -> memref<125xi32, #tpu.memory_space<vmem>>
        %dma_start3A_495 = arith.constant 0 : i32
        %dma_start3A_496 = arith.constant 0 : i32
        %dma_start3A_497 = tpu.memref_slice %arg3[%dma_start3A_495, %dma_start3A_496] : memref<100000x32xbf16, #tpu.memory_space<hbm>> -> memref<100000x32xbf16, #tpu.memory_space<hbm>>
        tpu.enqueue_indirect_dma source(%dma_start3A_497 : memref<100000x32xbf16, #tpu.memory_space<hbm>>) target(%dma_start3A_491 : memref<125x32xbf16, #tpu.memory_space<vmem>>) offsets(%dma_start3A_494 : memref<125xi32, #tpu.memory_space<vmem>>) semaphore(%arg12 : memref<!tpu.dma_semaphore, #tpu.memory_space<semaphore_mem>>)
        %dma_start3A_498 = arith.constant 1 : i32
        %dma_start3A_499 = arith.constant 3 : i32
        %dma_start3A_500 = arith.constant 1 : i32
        %dma_start3A_501 = arith.constant 375 : i32
        %dma_start3A_502 = arith.constant 0 : i32
        %dma_start3A_503 = tpu.memref_slice %arg6[%dma_start3A_500, %dma_start3A_501, %dma_start3A_502] : memref<4x500x32xbf16, #tpu.memory_space<vmem>> -> memref<1x125x32xbf16, #tpu.memory_space<vmem>>
        %dma_start3A_504 = tpu.memref_squeeze %dma_start3A_503 : memref<1x125x32xbf16, #tpu.memory_space<vmem>> -> memref<125x32xbf16, #tpu.memory_space<vmem>>
        %dma_start3A_505 = arith.constant 0 : i32
        %dma_start3A_506 = tpu.memref_slice %arg5[%dma_start3A_498, %dma_start3A_499, %dma_start3A_505] : memref<4x4x125xi32, #tpu.memory_space<vmem>> -> memref<1x1x125xi32, #tpu.memory_space<vmem>>
        %dma_start3A_507 = tpu.memref_squeeze %dma_start3A_506 : memref<1x1x125xi32, #tpu.memory_space<vmem>> -> memref<125xi32, #tpu.memory_space<vmem>>
        %dma_start3A_508 = arith.constant 0 : i32
        %dma_start3A_509 = arith.constant 0 : i32
        %dma_start3A_510 = tpu.memref_slice %arg3[%dma_start3A_508, %dma_start3A_509] : memref<100000x32xbf16, #tpu.memory_space<hbm>> -> memref<100000x32xbf16, #tpu.memory_space<hbm>>
        tpu.enqueue_indirect_dma source(%dma_start3A_510 : memref<100000x32xbf16, #tpu.memory_space<hbm>>) target(%dma_start3A_504 : memref<125x32xbf16, #tpu.memory_space<vmem>>) offsets(%dma_start3A_507 : memref<125xi32, #tpu.memory_space<vmem>>) semaphore(%arg12 : memref<!tpu.dma_semaphore, #tpu.memory_space<semaphore_mem>>)
      } else {
      }
      %mul3A_279 = arith.constant 4 : i32
      %mul3A_280 = arith.muli %scan3A_229, %mul3A_279 : i32
      %add3A_281 = arith.constant 1 : i32
      %add3A_282 = arith.addi %mul3A_280, %add3A_281 : i32
      %dma_wait3A_283 = arith.constant 1 : i32
      %dma_wait3A_284 = arith.constant 0 : i32
      %dma_wait3A_285 = arith.constant 0 : i32
      %dma_wait3A_286 = tpu.memref_slice %arg6[%dma_wait3A_283, %dma_wait3A_284, %dma_wait3A_285] : memref<4x500x32xbf16, #tpu.memory_space<vmem>> -> memref<1x500x32xbf16, #tpu.memory_space<vmem>>
      %dma_wait3A_287 = tpu.memref_squeeze %dma_wait3A_286 : memref<1x500x32xbf16, #tpu.memory_space<vmem>> -> memref<500x32xbf16, #tpu.memory_space<vmem>>
      %dma_wait3A_288 = arith.constant 0 : i32
      %dma_wait3A_289 = arith.constant 0 : i32
      %dma_wait3A_290 = tpu.memref_slice %arg3[%dma_wait3A_288, %dma_wait3A_289] : memref<100000x32xbf16, #tpu.memory_space<hbm>> -> memref<500x32xbf16, #tpu.memory_space<hbm>>
      %dma_wait3A_291 = arith.constant 0 : i32
      %dma_wait3A_292 = arith.constant 0 : i32
      %dma_wait3A_293 = tpu.memref_slice %arg6[%dma_wait3A_283, %dma_wait3A_291, %dma_wait3A_292] : memref<4x500x32xbf16, #tpu.memory_space<vmem>> -> memref<1x500x32xbf16, #tpu.memory_space<vmem>>
      %dma_wait3A_294 = tpu.memref_squeeze %dma_wait3A_293 : memref<1x500x32xbf16, #tpu.memory_space<vmem>> -> memref<500x32xbf16, #tpu.memory_space<vmem>>
      %dma_wait3A_295 = arith.constant 0 : i32
      %dma_wait3A_296 = arith.constant 0 : i32
      %dma_wait3A_297 = tpu.memref_slice %arg3[%dma_wait3A_295, %dma_wait3A_296] : memref<100000x32xbf16, #tpu.memory_space<hbm>> -> memref<500x32xbf16, #tpu.memory_space<hbm>>
      tpu.wait_dma2 semaphore(%arg12 : memref<!tpu.dma_semaphore, #tpu.memory_space<semaphore_mem>>) src(%dma_wait3A_297 : memref<500x32xbf16, #tpu.memory_space<hbm>>) dst(%dma_wait3A_294 : memref<500x32xbf16, #tpu.memory_space<vmem>>)
      %add3A_298 = arith.constant 4 : i32
      %add3A_299 = arith.addi %add3A_282, %add3A_298 : i32
      %lt3A_300 = arith.constant 64 : i32
      %lt3A_301 = arith.cmpi slt, %add3A_299, %lt3A_300 : i32
      %convert_element_type3A_302 = arith.extui %lt3A_301 : i1 to i32
      %cond3A_303 = arith.constant 0 : i32
      %cond3A_304 = arith.cmpi ne, %convert_element_type3A_302, %cond3A_303 : i32
      scf.if %cond3A_304 {
        %add3A_433 = arith.constant 4 : i32
        %add3A_434 = arith.addi %add3A_282, %add3A_433 : i32
        %add3A_435 = arith.addi %mul3A_2, %add3A_434 : i32
        %dma_start3A_436 = arith.constant 1 : i32
        %dma_start3A_437 = arith.constant 0 : i32
        %dma_start3A_438 = arith.constant 0 : i32
        %dma_start3A_439 = tpu.memref_slice %arg5[%dma_start3A_436, %dma_start3A_437, %dma_start3A_438] : memref<4x4x125xi32, #tpu.memory_space<vmem>> -> memref<1x4x125xi32, #tpu.memory_space<vmem>>
        %dma_start3A_440 = tpu.memref_squeeze %dma_start3A_439 : memref<1x4x125xi32, #tpu.memory_space<vmem>> -> memref<4x125xi32, #tpu.memory_space<vmem>>
        %dma_start3A_441 = arith.constant 0 : i32
        %dma_start3A_442 = arith.constant 0 : i32
        %dma_start3A_443 = tpu.memref_slice %arg2[%add3A_435, %dma_start3A_441, %dma_start3A_442] : memref<2048x4x125xi32, #tpu.memory_space<hbm>> -> memref<1x4x125xi32, #tpu.memory_space<hbm>>
        %dma_start3A_444 = tpu.memref_squeeze %dma_start3A_443 : memref<1x4x125xi32, #tpu.memory_space<hbm>> -> memref<4x125xi32, #tpu.memory_space<hbm>>
        %dma_start3A_445 = arith.constant 0 : i32
        %dma_start3A_446 = arith.constant 0 : i32
        %dma_start3A_447 = tpu.memref_slice %arg5[%dma_start3A_436, %dma_start3A_445, %dma_start3A_446] : memref<4x4x125xi32, #tpu.memory_space<vmem>> -> memref<1x4x125xi32, #tpu.memory_space<vmem>>
        %dma_start3A_448 = tpu.memref_squeeze %dma_start3A_447 : memref<1x4x125xi32, #tpu.memory_space<vmem>> -> memref<4x125xi32, #tpu.memory_space<vmem>>
        %dma_start3A_449 = arith.constant 0 : i32
        %dma_start3A_450 = arith.constant 0 : i32
        %dma_start3A_451 = tpu.memref_slice %arg2[%add3A_435, %dma_start3A_449, %dma_start3A_450] : memref<2048x4x125xi32, #tpu.memory_space<hbm>> -> memref<1x4x125xi32, #tpu.memory_space<hbm>>
        %dma_start3A_452 = tpu.memref_squeeze %dma_start3A_451 : memref<1x4x125xi32, #tpu.memory_space<hbm>> -> memref<4x125xi32, #tpu.memory_space<hbm>>
        tpu.enqueue_dma source(%dma_start3A_452 : memref<4x125xi32, #tpu.memory_space<hbm>>) target(%dma_start3A_448 : memref<4x125xi32, #tpu.memory_space<vmem>>) target_semaphore(%arg8 : memref<!tpu.dma_semaphore, #tpu.memory_space<semaphore_mem>>)
      } else {
      }
      %add3A_305 = arith.addi %mul3A_2, %add3A_282 : i32
      %dma_start3A_306 = arith.constant 1 : i32
      %dma_start3A_307 = arith.constant 0 : i32
      %dma_start3A_308 = arith.constant 0 : i32
      %dma_start3A_309 = tpu.memref_slice %arg6[%dma_start3A_306, %dma_start3A_307, %dma_start3A_308] : memref<4x500x32xbf16, #tpu.memory_space<vmem>> -> memref<1x500x32xbf16, #tpu.memory_space<vmem>>
      %dma_start3A_310 = tpu.memref_squeeze %dma_start3A_309 : memref<1x500x32xbf16, #tpu.memory_space<vmem>> -> memref<500x32xbf16, #tpu.memory_space<vmem>>
      %dma_start3A_311 = arith.constant 0 : i32
      %dma_start3A_312 = arith.constant 0 : i32
      %dma_start3A_313 = tpu.memref_slice %arg4[%add3A_305, %dma_start3A_311, %dma_start3A_312] : memref<2048x500x32xbf16, #tpu.memory_space<hbm>> -> memref<1x500x32xbf16, #tpu.memory_space<hbm>>
      %dma_start3A_314 = tpu.memref_squeeze %dma_start3A_313 : memref<1x500x32xbf16, #tpu.memory_space<hbm>> -> memref<500x32xbf16, #tpu.memory_space<hbm>>
      %dma_start3A_315 = arith.constant 0 : i32
      %dma_start3A_316 = arith.constant 0 : i32
      %dma_start3A_317 = tpu.memref_slice %arg4[%add3A_305, %dma_start3A_315, %dma_start3A_316] : memref<2048x500x32xbf16, #tpu.memory_space<hbm>> -> memref<1x500x32xbf16, #tpu.memory_space<hbm>>
      %dma_start3A_318 = tpu.memref_squeeze %dma_start3A_317 : memref<1x500x32xbf16, #tpu.memory_space<hbm>> -> memref<500x32xbf16, #tpu.memory_space<hbm>>
      %dma_start3A_319 = arith.constant 0 : i32
      %dma_start3A_320 = arith.constant 0 : i32
      %dma_start3A_321 = tpu.memref_slice %arg6[%dma_start3A_306, %dma_start3A_319, %dma_start3A_320] : memref<4x500x32xbf16, #tpu.memory_space<vmem>> -> memref<1x500x32xbf16, #tpu.memory_space<vmem>>
      %dma_start3A_322 = tpu.memref_squeeze %dma_start3A_321 : memref<1x500x32xbf16, #tpu.memory_space<vmem>> -> memref<500x32xbf16, #tpu.memory_space<vmem>>
      tpu.enqueue_dma source(%dma_start3A_322 : memref<500x32xbf16, #tpu.memory_space<vmem>>) target(%dma_start3A_318 : memref<500x32xbf16, #tpu.memory_space<hbm>>) target_semaphore(%arg16 : memref<!tpu.dma_semaphore, #tpu.memory_space<semaphore_mem>>)
      %add3A_323 = arith.constant 1 : i32
      %add3A_324 = arith.addi %add3A_282, %add3A_323 : i32
      %lt3A_325 = arith.constant 64 : i32
      %lt3A_326 = arith.cmpi slt, %add3A_324, %lt3A_325 : i32
      %convert_element_type3A_327 = arith.extui %lt3A_326 : i1 to i32
      %cond3A_328 = arith.constant 0 : i32
      %cond3A_329 = arith.cmpi ne, %convert_element_type3A_327, %cond3A_328 : i32
      scf.if %cond3A_329 {
        %dma_wait3A_433 = arith.constant 0 : i32
        %dma_wait3A_434 = arith.constant 2 : i32
        %dma_wait3A_435 = arith.constant 0 : i32
        %dma_wait3A_436 = arith.constant 0 : i32
        %dma_wait3A_437 = tpu.memref_slice %arg5[%dma_wait3A_434, %dma_wait3A_435, %dma_wait3A_436] : memref<4x4x125xi32, #tpu.memory_space<vmem>> -> memref<1x4x125xi32, #tpu.memory_space<vmem>>
        %dma_wait3A_438 = tpu.memref_squeeze %dma_wait3A_437 : memref<1x4x125xi32, #tpu.memory_space<vmem>> -> memref<4x125xi32, #tpu.memory_space<vmem>>
        %dma_wait3A_439 = arith.constant 0 : i32
        %dma_wait3A_440 = arith.constant 0 : i32
        %dma_wait3A_441 = tpu.memref_slice %arg2[%dma_wait3A_433, %dma_wait3A_439, %dma_wait3A_440] : memref<2048x4x125xi32, #tpu.memory_space<hbm>> -> memref<1x4x125xi32, #tpu.memory_space<hbm>>
        %dma_wait3A_442 = tpu.memref_squeeze %dma_wait3A_441 : memref<1x4x125xi32, #tpu.memory_space<hbm>> -> memref<4x125xi32, #tpu.memory_space<hbm>>
        %dma_wait3A_443 = arith.constant 0 : i32
        %dma_wait3A_444 = arith.constant 0 : i32
        %dma_wait3A_445 = tpu.memref_slice %arg5[%dma_wait3A_434, %dma_wait3A_443, %dma_wait3A_444] : memref<4x4x125xi32, #tpu.memory_space<vmem>> -> memref<1x4x125xi32, #tpu.memory_space<vmem>>
        %dma_wait3A_446 = tpu.memref_squeeze %dma_wait3A_445 : memref<1x4x125xi32, #tpu.memory_space<vmem>> -> memref<4x125xi32, #tpu.memory_space<vmem>>
        %dma_wait3A_447 = arith.constant 0 : i32
        %dma_wait3A_448 = arith.constant 0 : i32
        %dma_wait3A_449 = tpu.memref_slice %arg2[%dma_wait3A_433, %dma_wait3A_447, %dma_wait3A_448] : memref<2048x4x125xi32, #tpu.memory_space<hbm>> -> memref<1x4x125xi32, #tpu.memory_space<hbm>>
        %dma_wait3A_450 = tpu.memref_squeeze %dma_wait3A_449 : memref<1x4x125xi32, #tpu.memory_space<hbm>> -> memref<4x125xi32, #tpu.memory_space<hbm>>
        tpu.wait_dma2 semaphore(%arg9 : memref<!tpu.dma_semaphore, #tpu.memory_space<semaphore_mem>>) src(%dma_wait3A_450 : memref<4x125xi32, #tpu.memory_space<hbm>>) dst(%dma_wait3A_446 : memref<4x125xi32, #tpu.memory_space<vmem>>)
        %add3A_451 = arith.constant 1 : i32
        %add3A_452 = arith.addi %add3A_282, %add3A_451 : i32
        %ge3A = arith.constant 4 : i32
        %ge3A_453 = arith.cmpi sge, %add3A_452, %ge3A : i32
        %convert_element_type3A_454 = arith.extui %ge3A_453 : i1 to i32
        %cond3A_455 = arith.constant 0 : i32
        %cond3A_456 = arith.cmpi ne, %convert_element_type3A_454, %cond3A_455 : i32
        scf.if %cond3A_456 {
          %add3A_511 = arith.constant 1 : i32
          %add3A_512 = arith.addi %add3A_282, %add3A_511 : i32
          %sub3A = arith.constant 4 : i32
          %sub3A_513 = arith.subi %add3A_512, %sub3A : i32
          %add3A_514 = arith.addi %mul3A_2, %sub3A_513 : i32
          %dma_wait3A_515 = arith.constant 2 : i32
          %dma_wait3A_516 = arith.constant 0 : i32
          %dma_wait3A_517 = arith.constant 0 : i32
          %dma_wait3A_518 = tpu.memref_slice %arg6[%dma_wait3A_515, %dma_wait3A_516, %dma_wait3A_517] : memref<4x500x32xbf16, #tpu.memory_space<vmem>> -> memref<1x500x32xbf16, #tpu.memory_space<vmem>>
          %dma_wait3A_519 = tpu.memref_squeeze %dma_wait3A_518 : memref<1x500x32xbf16, #tpu.memory_space<vmem>> -> memref<500x32xbf16, #tpu.memory_space<vmem>>
          %dma_wait3A_520 = arith.constant 0 : i32
          %dma_wait3A_521 = arith.constant 0 : i32
          %dma_wait3A_522 = tpu.memref_slice %arg4[%add3A_514, %dma_wait3A_520, %dma_wait3A_521] : memref<2048x500x32xbf16, #tpu.memory_space<hbm>> -> memref<1x500x32xbf16, #tpu.memory_space<hbm>>
          %dma_wait3A_523 = tpu.memref_squeeze %dma_wait3A_522 : memref<1x500x32xbf16, #tpu.memory_space<hbm>> -> memref<500x32xbf16, #tpu.memory_space<hbm>>
          %dma_wait3A_524 = arith.constant 0 : i32
          %dma_wait3A_525 = arith.constant 0 : i32
          %dma_wait3A_526 = tpu.memref_slice %arg4[%add3A_514, %dma_wait3A_524, %dma_wait3A_525] : memref<2048x500x32xbf16, #tpu.memory_space<hbm>> -> memref<1x500x32xbf16, #tpu.memory_space<hbm>>
          %dma_wait3A_527 = tpu.memref_squeeze %dma_wait3A_526 : memref<1x500x32xbf16, #tpu.memory_space<hbm>> -> memref<500x32xbf16, #tpu.memory_space<hbm>>
          %dma_wait3A_528 = arith.constant 0 : i32
          %dma_wait3A_529 = arith.constant 0 : i32
          %dma_wait3A_530 = tpu.memref_slice %arg6[%dma_wait3A_515, %dma_wait3A_528, %dma_wait3A_529] : memref<4x500x32xbf16, #tpu.memory_space<vmem>> -> memref<1x500x32xbf16, #tpu.memory_space<vmem>>
          %dma_wait3A_531 = tpu.memref_squeeze %dma_wait3A_530 : memref<1x500x32xbf16, #tpu.memory_space<vmem>> -> memref<500x32xbf16, #tpu.memory_space<vmem>>
          tpu.wait_dma2 semaphore(%arg17 : memref<!tpu.dma_semaphore, #tpu.memory_space<semaphore_mem>>) src(%dma_wait3A_531 : memref<500x32xbf16, #tpu.memory_space<vmem>>) dst(%dma_wait3A_527 : memref<500x32xbf16, #tpu.memory_space<hbm>>)
        } else {
        }
        %add3A_457 = arith.constant 1 : i32
        %add3A_458 = arith.addi %add3A_282, %add3A_457 : i32
        %dma_start3A_459 = arith.constant 2 : i32
        %dma_start3A_460 = arith.constant 0 : i32
        %dma_start3A_461 = arith.constant 2 : i32
        %dma_start3A_462 = arith.constant 0 : i32
        %dma_start3A_463 = arith.constant 0 : i32
        %dma_start3A_464 = tpu.memref_slice %arg6[%dma_start3A_461, %dma_start3A_462, %dma_start3A_463] : memref<4x500x32xbf16, #tpu.memory_space<vmem>> -> memref<1x125x32xbf16, #tpu.memory_space<vmem>>
        %dma_start3A_465 = tpu.memref_squeeze %dma_start3A_464 : memref<1x125x32xbf16, #tpu.memory_space<vmem>> -> memref<125x32xbf16, #tpu.memory_space<vmem>>
        %dma_start3A_466 = arith.constant 0 : i32
        %dma_start3A_467 = tpu.memref_slice %arg5[%dma_start3A_459, %dma_start3A_460, %dma_start3A_466] : memref<4x4x125xi32, #tpu.memory_space<vmem>> -> memref<1x1x125xi32, #tpu.memory_space<vmem>>
        %dma_start3A_468 = tpu.memref_squeeze %dma_start3A_467 : memref<1x1x125xi32, #tpu.memory_space<vmem>> -> memref<125xi32, #tpu.memory_space<vmem>>
        %dma_start3A_469 = arith.constant 0 : i32
        %dma_start3A_470 = arith.constant 0 : i32
        %dma_start3A_471 = tpu.memref_slice %arg3[%dma_start3A_469, %dma_start3A_470] : memref<100000x32xbf16, #tpu.memory_space<hbm>> -> memref<100000x32xbf16, #tpu.memory_space<hbm>>
        tpu.enqueue_indirect_dma source(%dma_start3A_471 : memref<100000x32xbf16, #tpu.memory_space<hbm>>) target(%dma_start3A_465 : memref<125x32xbf16, #tpu.memory_space<vmem>>) offsets(%dma_start3A_468 : memref<125xi32, #tpu.memory_space<vmem>>) semaphore(%arg13 : memref<!tpu.dma_semaphore, #tpu.memory_space<semaphore_mem>>)
        %dma_start3A_472 = arith.constant 2 : i32
        %dma_start3A_473 = arith.constant 1 : i32
        %dma_start3A_474 = arith.constant 2 : i32
        %dma_start3A_475 = arith.constant 125 : i32
        %dma_start3A_476 = arith.constant 0 : i32
        %dma_start3A_477 = tpu.memref_slice %arg6[%dma_start3A_474, %dma_start3A_475, %dma_start3A_476] : memref<4x500x32xbf16, #tpu.memory_space<vmem>> -> memref<1x125x32xbf16, #tpu.memory_space<vmem>>
        %dma_start3A_478 = tpu.memref_squeeze %dma_start3A_477 : memref<1x125x32xbf16, #tpu.memory_space<vmem>> -> memref<125x32xbf16, #tpu.memory_space<vmem>>
        %dma_start3A_479 = arith.constant 0 : i32
        %dma_start3A_480 = tpu.memref_slice %arg5[%dma_start3A_472, %dma_start3A_473, %dma_start3A_479] : memref<4x4x125xi32, #tpu.memory_space<vmem>> -> memref<1x1x125xi32, #tpu.memory_space<vmem>>
        %dma_start3A_481 = tpu.memref_squeeze %dma_start3A_480 : memref<1x1x125xi32, #tpu.memory_space<vmem>> -> memref<125xi32, #tpu.memory_space<vmem>>
        %dma_start3A_482 = arith.constant 0 : i32
        %dma_start3A_483 = arith.constant 0 : i32
        %dma_start3A_484 = tpu.memref_slice %arg3[%dma_start3A_482, %dma_start3A_483] : memref<100000x32xbf16, #tpu.memory_space<hbm>> -> memref<100000x32xbf16, #tpu.memory_space<hbm>>
        tpu.enqueue_indirect_dma source(%dma_start3A_484 : memref<100000x32xbf16, #tpu.memory_space<hbm>>) target(%dma_start3A_478 : memref<125x32xbf16, #tpu.memory_space<vmem>>) offsets(%dma_start3A_481 : memref<125xi32, #tpu.memory_space<vmem>>) semaphore(%arg13 : memref<!tpu.dma_semaphore, #tpu.memory_space<semaphore_mem>>)
        %dma_start3A_485 = arith.constant 2 : i32
        %dma_start3A_486 = arith.constant 2 : i32
        %dma_start3A_487 = arith.constant 2 : i32
        %dma_start3A_488 = arith.constant 250 : i32
        %dma_start3A_489 = arith.constant 0 : i32
        %dma_start3A_490 = tpu.memref_slice %arg6[%dma_start3A_487, %dma_start3A_488, %dma_start3A_489] : memref<4x500x32xbf16, #tpu.memory_space<vmem>> -> memref<1x125x32xbf16, #tpu.memory_space<vmem>>
        %dma_start3A_491 = tpu.memref_squeeze %dma_start3A_490 : memref<1x125x32xbf16, #tpu.memory_space<vmem>> -> memref<125x32xbf16, #tpu.memory_space<vmem>>
        %dma_start3A_492 = arith.constant 0 : i32
        %dma_start3A_493 = tpu.memref_slice %arg5[%dma_start3A_485, %dma_start3A_486, %dma_start3A_492] : memref<4x4x125xi32, #tpu.memory_space<vmem>> -> memref<1x1x125xi32, #tpu.memory_space<vmem>>
        %dma_start3A_494 = tpu.memref_squeeze %dma_start3A_493 : memref<1x1x125xi32, #tpu.memory_space<vmem>> -> memref<125xi32, #tpu.memory_space<vmem>>
        %dma_start3A_495 = arith.constant 0 : i32
        %dma_start3A_496 = arith.constant 0 : i32
        %dma_start3A_497 = tpu.memref_slice %arg3[%dma_start3A_495, %dma_start3A_496] : memref<100000x32xbf16, #tpu.memory_space<hbm>> -> memref<100000x32xbf16, #tpu.memory_space<hbm>>
        tpu.enqueue_indirect_dma source(%dma_start3A_497 : memref<100000x32xbf16, #tpu.memory_space<hbm>>) target(%dma_start3A_491 : memref<125x32xbf16, #tpu.memory_space<vmem>>) offsets(%dma_start3A_494 : memref<125xi32, #tpu.memory_space<vmem>>) semaphore(%arg13 : memref<!tpu.dma_semaphore, #tpu.memory_space<semaphore_mem>>)
        %dma_start3A_498 = arith.constant 2 : i32
        %dma_start3A_499 = arith.constant 3 : i32
        %dma_start3A_500 = arith.constant 2 : i32
        %dma_start3A_501 = arith.constant 375 : i32
        %dma_start3A_502 = arith.constant 0 : i32
        %dma_start3A_503 = tpu.memref_slice %arg6[%dma_start3A_500, %dma_start3A_501, %dma_start3A_502] : memref<4x500x32xbf16, #tpu.memory_space<vmem>> -> memref<1x125x32xbf16, #tpu.memory_space<vmem>>
        %dma_start3A_504 = tpu.memref_squeeze %dma_start3A_503 : memref<1x125x32xbf16, #tpu.memory_space<vmem>> -> memref<125x32xbf16, #tpu.memory_space<vmem>>
        %dma_start3A_505 = arith.constant 0 : i32
        %dma_start3A_506 = tpu.memref_slice %arg5[%dma_start3A_498, %dma_start3A_499, %dma_start3A_505] : memref<4x4x125xi32, #tpu.memory_space<vmem>> -> memref<1x1x125xi32, #tpu.memory_space<vmem>>
        %dma_start3A_507 = tpu.memref_squeeze %dma_start3A_506 : memref<1x1x125xi32, #tpu.memory_space<vmem>> -> memref<125xi32, #tpu.memory_space<vmem>>
        %dma_start3A_508 = arith.constant 0 : i32
        %dma_start3A_509 = arith.constant 0 : i32
        %dma_start3A_510 = tpu.memref_slice %arg3[%dma_start3A_508, %dma_start3A_509] : memref<100000x32xbf16, #tpu.memory_space<hbm>> -> memref<100000x32xbf16, #tpu.memory_space<hbm>>
        tpu.enqueue_indirect_dma source(%dma_start3A_510 : memref<100000x32xbf16, #tpu.memory_space<hbm>>) target(%dma_start3A_504 : memref<125x32xbf16, #tpu.memory_space<vmem>>) offsets(%dma_start3A_507 : memref<125xi32, #tpu.memory_space<vmem>>) semaphore(%arg13 : memref<!tpu.dma_semaphore, #tpu.memory_space<semaphore_mem>>)
      } else {
      }
      %mul3A_330 = arith.constant 4 : i32
      %mul3A_331 = arith.muli %scan3A_229, %mul3A_330 : i32
      %add3A_332 = arith.constant 2 : i32
      %add3A_333 = arith.addi %mul3A_331, %add3A_332 : i32
      %dma_wait3A_334 = arith.constant 2 : i32
      %dma_wait3A_335 = arith.constant 0 : i32
      %dma_wait3A_336 = arith.constant 0 : i32
      %dma_wait3A_337 = tpu.memref_slice %arg6[%dma_wait3A_334, %dma_wait3A_335, %dma_wait3A_336] : memref<4x500x32xbf16, #tpu.memory_space<vmem>> -> memref<1x500x32xbf16, #tpu.memory_space<vmem>>
      %dma_wait3A_338 = tpu.memref_squeeze %dma_wait3A_337 : memref<1x500x32xbf16, #tpu.memory_space<vmem>> -> memref<500x32xbf16, #tpu.memory_space<vmem>>
      %dma_wait3A_339 = arith.constant 0 : i32
      %dma_wait3A_340 = arith.constant 0 : i32
      %dma_wait3A_341 = tpu.memref_slice %arg3[%dma_wait3A_339, %dma_wait3A_340] : memref<100000x32xbf16, #tpu.memory_space<hbm>> -> memref<500x32xbf16, #tpu.memory_space<hbm>>
      %dma_wait3A_342 = arith.constant 0 : i32
      %dma_wait3A_343 = arith.constant 0 : i32
      %dma_wait3A_344 = tpu.memref_slice %arg6[%dma_wait3A_334, %dma_wait3A_342, %dma_wait3A_343] : memref<4x500x32xbf16, #tpu.memory_space<vmem>> -> memref<1x500x32xbf16, #tpu.memory_space<vmem>>
      %dma_wait3A_345 = tpu.memref_squeeze %dma_wait3A_344 : memref<1x500x32xbf16, #tpu.memory_space<vmem>> -> memref<500x32xbf16, #tpu.memory_space<vmem>>
      %dma_wait3A_346 = arith.constant 0 : i32
      %dma_wait3A_347 = arith.constant 0 : i32
      %dma_wait3A_348 = tpu.memref_slice %arg3[%dma_wait3A_346, %dma_wait3A_347] : memref<100000x32xbf16, #tpu.memory_space<hbm>> -> memref<500x32xbf16, #tpu.memory_space<hbm>>
      tpu.wait_dma2 semaphore(%arg13 : memref<!tpu.dma_semaphore, #tpu.memory_space<semaphore_mem>>) src(%dma_wait3A_348 : memref<500x32xbf16, #tpu.memory_space<hbm>>) dst(%dma_wait3A_345 : memref<500x32xbf16, #tpu.memory_space<vmem>>)
      %add3A_349 = arith.constant 4 : i32
      %add3A_350 = arith.addi %add3A_333, %add3A_349 : i32
      %lt3A_351 = arith.constant 64 : i32
      %lt3A_352 = arith.cmpi slt, %add3A_350, %lt3A_351 : i32
      %convert_element_type3A_353 = arith.extui %lt3A_352 : i1 to i32
      %cond3A_354 = arith.constant 0 : i32
      %cond3A_355 = arith.cmpi ne, %convert_element_type3A_353, %cond3A_354 : i32
      scf.if %cond3A_355 {
        %add3A_433 = arith.constant 4 : i32
        %add3A_434 = arith.addi %add3A_333, %add3A_433 : i32
        %add3A_435 = arith.addi %mul3A_2, %add3A_434 : i32
        %dma_start3A_436 = arith.constant 2 : i32
        %dma_start3A_437 = arith.constant 0 : i32
        %dma_start3A_438 = arith.constant 0 : i32
        %dma_start3A_439 = tpu.memref_slice %arg5[%dma_start3A_436, %dma_start3A_437, %dma_start3A_438] : memref<4x4x125xi32, #tpu.memory_space<vmem>> -> memref<1x4x125xi32, #tpu.memory_space<vmem>>
        %dma_start3A_440 = tpu.memref_squeeze %dma_start3A_439 : memref<1x4x125xi32, #tpu.memory_space<vmem>> -> memref<4x125xi32, #tpu.memory_space<vmem>>
        %dma_start3A_441 = arith.constant 0 : i32
        %dma_start3A_442 = arith.constant 0 : i32
        %dma_start3A_443 = tpu.memref_slice %arg2[%add3A_435, %dma_start3A_441, %dma_start3A_442] : memref<2048x4x125xi32, #tpu.memory_space<hbm>> -> memref<1x4x125xi32, #tpu.memory_space<hbm>>
        %dma_start3A_444 = tpu.memref_squeeze %dma_start3A_443 : memref<1x4x125xi32, #tpu.memory_space<hbm>> -> memref<4x125xi32, #tpu.memory_space<hbm>>
        %dma_start3A_445 = arith.constant 0 : i32
        %dma_start3A_446 = arith.constant 0 : i32
        %dma_start3A_447 = tpu.memref_slice %arg5[%dma_start3A_436, %dma_start3A_445, %dma_start3A_446] : memref<4x4x125xi32, #tpu.memory_space<vmem>> -> memref<1x4x125xi32, #tpu.memory_space<vmem>>
        %dma_start3A_448 = tpu.memref_squeeze %dma_start3A_447 : memref<1x4x125xi32, #tpu.memory_space<vmem>> -> memref<4x125xi32, #tpu.memory_space<vmem>>
        %dma_start3A_449 = arith.constant 0 : i32
        %dma_start3A_450 = arith.constant 0 : i32
        %dma_start3A_451 = tpu.memref_slice %arg2[%add3A_435, %dma_start3A_449, %dma_start3A_450] : memref<2048x4x125xi32, #tpu.memory_space<hbm>> -> memref<1x4x125xi32, #tpu.memory_space<hbm>>
        %dma_start3A_452 = tpu.memref_squeeze %dma_start3A_451 : memref<1x4x125xi32, #tpu.memory_space<hbm>> -> memref<4x125xi32, #tpu.memory_space<hbm>>
        tpu.enqueue_dma source(%dma_start3A_452 : memref<4x125xi32, #tpu.memory_space<hbm>>) target(%dma_start3A_448 : memref<4x125xi32, #tpu.memory_space<vmem>>) target_semaphore(%arg9 : memref<!tpu.dma_semaphore, #tpu.memory_space<semaphore_mem>>)
      } else {
      }
      %add3A_356 = arith.addi %mul3A_2, %add3A_333 : i32
      %dma_start3A_357 = arith.constant 2 : i32
      %dma_start3A_358 = arith.constant 0 : i32
      %dma_start3A_359 = arith.constant 0 : i32
      %dma_start3A_360 = tpu.memref_slice %arg6[%dma_start3A_357, %dma_start3A_358, %dma_start3A_359] : memref<4x500x32xbf16, #tpu.memory_space<vmem>> -> memref<1x500x32xbf16, #tpu.memory_space<vmem>>
      %dma_start3A_361 = tpu.memref_squeeze %dma_start3A_360 : memref<1x500x32xbf16, #tpu.memory_space<vmem>> -> memref<500x32xbf16, #tpu.memory_space<vmem>>
      %dma_start3A_362 = arith.constant 0 : i32
      %dma_start3A_363 = arith.constant 0 : i32
      %dma_start3A_364 = tpu.memref_slice %arg4[%add3A_356, %dma_start3A_362, %dma_start3A_363] : memref<2048x500x32xbf16, #tpu.memory_space<hbm>> -> memref<1x500x32xbf16, #tpu.memory_space<hbm>>
      %dma_start3A_365 = tpu.memref_squeeze %dma_start3A_364 : memref<1x500x32xbf16, #tpu.memory_space<hbm>> -> memref<500x32xbf16, #tpu.memory_space<hbm>>
      %dma_start3A_366 = arith.constant 0 : i32
      %dma_start3A_367 = arith.constant 0 : i32
      %dma_start3A_368 = tpu.memref_slice %arg4[%add3A_356, %dma_start3A_366, %dma_start3A_367] : memref<2048x500x32xbf16, #tpu.memory_space<hbm>> -> memref<1x500x32xbf16, #tpu.memory_space<hbm>>
      %dma_start3A_369 = tpu.memref_squeeze %dma_start3A_368 : memref<1x500x32xbf16, #tpu.memory_space<hbm>> -> memref<500x32xbf16, #tpu.memory_space<hbm>>
      %dma_start3A_370 = arith.constant 0 : i32
      %dma_start3A_371 = arith.constant 0 : i32
      %dma_start3A_372 = tpu.memref_slice %arg6[%dma_start3A_357, %dma_start3A_370, %dma_start3A_371] : memref<4x500x32xbf16, #tpu.memory_space<vmem>> -> memref<1x500x32xbf16, #tpu.memory_space<vmem>>
      %dma_start3A_373 = tpu.memref_squeeze %dma_start3A_372 : memref<1x500x32xbf16, #tpu.memory_space<vmem>> -> memref<500x32xbf16, #tpu.memory_space<vmem>>
      tpu.enqueue_dma source(%dma_start3A_373 : memref<500x32xbf16, #tpu.memory_space<vmem>>) target(%dma_start3A_369 : memref<500x32xbf16, #tpu.memory_space<hbm>>) target_semaphore(%arg17 : memref<!tpu.dma_semaphore, #tpu.memory_space<semaphore_mem>>)
      %add3A_374 = arith.constant 1 : i32
      %add3A_375 = arith.addi %add3A_333, %add3A_374 : i32
      %lt3A_376 = arith.constant 64 : i32
      %lt3A_377 = arith.cmpi slt, %add3A_375, %lt3A_376 : i32
      %convert_element_type3A_378 = arith.extui %lt3A_377 : i1 to i32
      %cond3A_379 = arith.constant 0 : i32
      %cond3A_380 = arith.cmpi ne, %convert_element_type3A_378, %cond3A_379 : i32
      scf.if %cond3A_380 {
        %dma_wait3A_433 = arith.constant 0 : i32
        %dma_wait3A_434 = arith.constant 3 : i32
        %dma_wait3A_435 = arith.constant 0 : i32
        %dma_wait3A_436 = arith.constant 0 : i32
        %dma_wait3A_437 = tpu.memref_slice %arg5[%dma_wait3A_434, %dma_wait3A_435, %dma_wait3A_436] : memref<4x4x125xi32, #tpu.memory_space<vmem>> -> memref<1x4x125xi32, #tpu.memory_space<vmem>>
        %dma_wait3A_438 = tpu.memref_squeeze %dma_wait3A_437 : memref<1x4x125xi32, #tpu.memory_space<vmem>> -> memref<4x125xi32, #tpu.memory_space<vmem>>
        %dma_wait3A_439 = arith.constant 0 : i32
        %dma_wait3A_440 = arith.constant 0 : i32
        %dma_wait3A_441 = tpu.memref_slice %arg2[%dma_wait3A_433, %dma_wait3A_439, %dma_wait3A_440] : memref<2048x4x125xi32, #tpu.memory_space<hbm>> -> memref<1x4x125xi32, #tpu.memory_space<hbm>>
        %dma_wait3A_442 = tpu.memref_squeeze %dma_wait3A_441 : memref<1x4x125xi32, #tpu.memory_space<hbm>> -> memref<4x125xi32, #tpu.memory_space<hbm>>
        %dma_wait3A_443 = arith.constant 0 : i32
        %dma_wait3A_444 = arith.constant 0 : i32
        %dma_wait3A_445 = tpu.memref_slice %arg5[%dma_wait3A_434, %dma_wait3A_443, %dma_wait3A_444] : memref<4x4x125xi32, #tpu.memory_space<vmem>> -> memref<1x4x125xi32, #tpu.memory_space<vmem>>
        %dma_wait3A_446 = tpu.memref_squeeze %dma_wait3A_445 : memref<1x4x125xi32, #tpu.memory_space<vmem>> -> memref<4x125xi32, #tpu.memory_space<vmem>>
        %dma_wait3A_447 = arith.constant 0 : i32
        %dma_wait3A_448 = arith.constant 0 : i32
        %dma_wait3A_449 = tpu.memref_slice %arg2[%dma_wait3A_433, %dma_wait3A_447, %dma_wait3A_448] : memref<2048x4x125xi32, #tpu.memory_space<hbm>> -> memref<1x4x125xi32, #tpu.memory_space<hbm>>
        %dma_wait3A_450 = tpu.memref_squeeze %dma_wait3A_449 : memref<1x4x125xi32, #tpu.memory_space<hbm>> -> memref<4x125xi32, #tpu.memory_space<hbm>>
        tpu.wait_dma2 semaphore(%arg10 : memref<!tpu.dma_semaphore, #tpu.memory_space<semaphore_mem>>) src(%dma_wait3A_450 : memref<4x125xi32, #tpu.memory_space<hbm>>) dst(%dma_wait3A_446 : memref<4x125xi32, #tpu.memory_space<vmem>>)
        %add3A_451 = arith.constant 1 : i32
        %add3A_452 = arith.addi %add3A_333, %add3A_451 : i32
        %ge3A = arith.constant 4 : i32
        %ge3A_453 = arith.cmpi sge, %add3A_452, %ge3A : i32
        %convert_element_type3A_454 = arith.extui %ge3A_453 : i1 to i32
        %cond3A_455 = arith.constant 0 : i32
        %cond3A_456 = arith.cmpi ne, %convert_element_type3A_454, %cond3A_455 : i32
        scf.if %cond3A_456 {
          %add3A_511 = arith.constant 1 : i32
          %add3A_512 = arith.addi %add3A_333, %add3A_511 : i32
          %sub3A = arith.constant 4 : i32
          %sub3A_513 = arith.subi %add3A_512, %sub3A : i32
          %add3A_514 = arith.addi %mul3A_2, %sub3A_513 : i32
          %dma_wait3A_515 = arith.constant 3 : i32
          %dma_wait3A_516 = arith.constant 0 : i32
          %dma_wait3A_517 = arith.constant 0 : i32
          %dma_wait3A_518 = tpu.memref_slice %arg6[%dma_wait3A_515, %dma_wait3A_516, %dma_wait3A_517] : memref<4x500x32xbf16, #tpu.memory_space<vmem>> -> memref<1x500x32xbf16, #tpu.memory_space<vmem>>
          %dma_wait3A_519 = tpu.memref_squeeze %dma_wait3A_518 : memref<1x500x32xbf16, #tpu.memory_space<vmem>> -> memref<500x32xbf16, #tpu.memory_space<vmem>>
          %dma_wait3A_520 = arith.constant 0 : i32
          %dma_wait3A_521 = arith.constant 0 : i32
          %dma_wait3A_522 = tpu.memref_slice %arg4[%add3A_514, %dma_wait3A_520, %dma_wait3A_521] : memref<2048x500x32xbf16, #tpu.memory_space<hbm>> -> memref<1x500x32xbf16, #tpu.memory_space<hbm>>
          %dma_wait3A_523 = tpu.memref_squeeze %dma_wait3A_522 : memref<1x500x32xbf16, #tpu.memory_space<hbm>> -> memref<500x32xbf16, #tpu.memory_space<hbm>>
          %dma_wait3A_524 = arith.constant 0 : i32
          %dma_wait3A_525 = arith.constant 0 : i32
          %dma_wait3A_526 = tpu.memref_slice %arg4[%add3A_514, %dma_wait3A_524, %dma_wait3A_525] : memref<2048x500x32xbf16, #tpu.memory_space<hbm>> -> memref<1x500x32xbf16, #tpu.memory_space<hbm>>
          %dma_wait3A_527 = tpu.memref_squeeze %dma_wait3A_526 : memref<1x500x32xbf16, #tpu.memory_space<hbm>> -> memref<500x32xbf16, #tpu.memory_space<hbm>>
          %dma_wait3A_528 = arith.constant 0 : i32
          %dma_wait3A_529 = arith.constant 0 : i32
          %dma_wait3A_530 = tpu.memref_slice %arg6[%dma_wait3A_515, %dma_wait3A_528, %dma_wait3A_529] : memref<4x500x32xbf16, #tpu.memory_space<vmem>> -> memref<1x500x32xbf16, #tpu.memory_space<vmem>>
          %dma_wait3A_531 = tpu.memref_squeeze %dma_wait3A_530 : memref<1x500x32xbf16, #tpu.memory_space<vmem>> -> memref<500x32xbf16, #tpu.memory_space<vmem>>
          tpu.wait_dma2 semaphore(%arg18 : memref<!tpu.dma_semaphore, #tpu.memory_space<semaphore_mem>>) src(%dma_wait3A_531 : memref<500x32xbf16, #tpu.memory_space<vmem>>) dst(%dma_wait3A_527 : memref<500x32xbf16, #tpu.memory_space<hbm>>)
        } else {
        }
        %add3A_457 = arith.constant 1 : i32
        %add3A_458 = arith.addi %add3A_333, %add3A_457 : i32
        %dma_start3A_459 = arith.constant 3 : i32
        %dma_start3A_460 = arith.constant 0 : i32
        %dma_start3A_461 = arith.constant 3 : i32
        %dma_start3A_462 = arith.constant 0 : i32
        %dma_start3A_463 = arith.constant 0 : i32
        %dma_start3A_464 = tpu.memref_slice %arg6[%dma_start3A_461, %dma_start3A_462, %dma_start3A_463] : memref<4x500x32xbf16, #tpu.memory_space<vmem>> -> memref<1x125x32xbf16, #tpu.memory_space<vmem>>
        %dma_start3A_465 = tpu.memref_squeeze %dma_start3A_464 : memref<1x125x32xbf16, #tpu.memory_space<vmem>> -> memref<125x32xbf16, #tpu.memory_space<vmem>>
        %dma_start3A_466 = arith.constant 0 : i32
        %dma_start3A_467 = tpu.memref_slice %arg5[%dma_start3A_459, %dma_start3A_460, %dma_start3A_466] : memref<4x4x125xi32, #tpu.memory_space<vmem>> -> memref<1x1x125xi32, #tpu.memory_space<vmem>>
        %dma_start3A_468 = tpu.memref_squeeze %dma_start3A_467 : memref<1x1x125xi32, #tpu.memory_space<vmem>> -> memref<125xi32, #tpu.memory_space<vmem>>
        %dma_start3A_469 = arith.constant 0 : i32
        %dma_start3A_470 = arith.constant 0 : i32
        %dma_start3A_471 = tpu.memref_slice %arg3[%dma_start3A_469, %dma_start3A_470] : memref<100000x32xbf16, #tpu.memory_space<hbm>> -> memref<100000x32xbf16, #tpu.memory_space<hbm>>
        tpu.enqueue_indirect_dma source(%dma_start3A_471 : memref<100000x32xbf16, #tpu.memory_space<hbm>>) target(%dma_start3A_465 : memref<125x32xbf16, #tpu.memory_space<vmem>>) offsets(%dma_start3A_468 : memref<125xi32, #tpu.memory_space<vmem>>) semaphore(%arg14 : memref<!tpu.dma_semaphore, #tpu.memory_space<semaphore_mem>>)
        %dma_start3A_472 = arith.constant 3 : i32
        %dma_start3A_473 = arith.constant 1 : i32
        %dma_start3A_474 = arith.constant 3 : i32
        %dma_start3A_475 = arith.constant 125 : i32
        %dma_start3A_476 = arith.constant 0 : i32
        %dma_start3A_477 = tpu.memref_slice %arg6[%dma_start3A_474, %dma_start3A_475, %dma_start3A_476] : memref<4x500x32xbf16, #tpu.memory_space<vmem>> -> memref<1x125x32xbf16, #tpu.memory_space<vmem>>
        %dma_start3A_478 = tpu.memref_squeeze %dma_start3A_477 : memref<1x125x32xbf16, #tpu.memory_space<vmem>> -> memref<125x32xbf16, #tpu.memory_space<vmem>>
        %dma_start3A_479 = arith.constant 0 : i32
        %dma_start3A_480 = tpu.memref_slice %arg5[%dma_start3A_472, %dma_start3A_473, %dma_start3A_479] : memref<4x4x125xi32, #tpu.memory_space<vmem>> -> memref<1x1x125xi32, #tpu.memory_space<vmem>>
        %dma_start3A_481 = tpu.memref_squeeze %dma_start3A_480 : memref<1x1x125xi32, #tpu.memory_space<vmem>> -> memref<125xi32, #tpu.memory_space<vmem>>
        %dma_start3A_482 = arith.constant 0 : i32
        %dma_start3A_483 = arith.constant 0 : i32
        %dma_start3A_484 = tpu.memref_slice %arg3[%dma_start3A_482, %dma_start3A_483] : memref<100000x32xbf16, #tpu.memory_space<hbm>> -> memref<100000x32xbf16, #tpu.memory_space<hbm>>
        tpu.enqueue_indirect_dma source(%dma_start3A_484 : memref<100000x32xbf16, #tpu.memory_space<hbm>>) target(%dma_start3A_478 : memref<125x32xbf16, #tpu.memory_space<vmem>>) offsets(%dma_start3A_481 : memref<125xi32, #tpu.memory_space<vmem>>) semaphore(%arg14 : memref<!tpu.dma_semaphore, #tpu.memory_space<semaphore_mem>>)
        %dma_start3A_485 = arith.constant 3 : i32
        %dma_start3A_486 = arith.constant 2 : i32
        %dma_start3A_487 = arith.constant 3 : i32
        %dma_start3A_488 = arith.constant 250 : i32
        %dma_start3A_489 = arith.constant 0 : i32
        %dma_start3A_490 = tpu.memref_slice %arg6[%dma_start3A_487, %dma_start3A_488, %dma_start3A_489] : memref<4x500x32xbf16, #tpu.memory_space<vmem>> -> memref<1x125x32xbf16, #tpu.memory_space<vmem>>
        %dma_start3A_491 = tpu.memref_squeeze %dma_start3A_490 : memref<1x125x32xbf16, #tpu.memory_space<vmem>> -> memref<125x32xbf16, #tpu.memory_space<vmem>>
        %dma_start3A_492 = arith.constant 0 : i32
        %dma_start3A_493 = tpu.memref_slice %arg5[%dma_start3A_485, %dma_start3A_486, %dma_start3A_492] : memref<4x4x125xi32, #tpu.memory_space<vmem>> -> memref<1x1x125xi32, #tpu.memory_space<vmem>>
        %dma_start3A_494 = tpu.memref_squeeze %dma_start3A_493 : memref<1x1x125xi32, #tpu.memory_space<vmem>> -> memref<125xi32, #tpu.memory_space<vmem>>
        %dma_start3A_495 = arith.constant 0 : i32
        %dma_start3A_496 = arith.constant 0 : i32
        %dma_start3A_497 = tpu.memref_slice %arg3[%dma_start3A_495, %dma_start3A_496] : memref<100000x32xbf16, #tpu.memory_space<hbm>> -> memref<100000x32xbf16, #tpu.memory_space<hbm>>
        tpu.enqueue_indirect_dma source(%dma_start3A_497 : memref<100000x32xbf16, #tpu.memory_space<hbm>>) target(%dma_start3A_491 : memref<125x32xbf16, #tpu.memory_space<vmem>>) offsets(%dma_start3A_494 : memref<125xi32, #tpu.memory_space<vmem>>) semaphore(%arg14 : memref<!tpu.dma_semaphore, #tpu.memory_space<semaphore_mem>>)
        %dma_start3A_498 = arith.constant 3 : i32
        %dma_start3A_499 = arith.constant 3 : i32
        %dma_start3A_500 = arith.constant 3 : i32
        %dma_start3A_501 = arith.constant 375 : i32
        %dma_start3A_502 = arith.constant 0 : i32
        %dma_start3A_503 = tpu.memref_slice %arg6[%dma_start3A_500, %dma_start3A_501, %dma_start3A_502] : memref<4x500x32xbf16, #tpu.memory_space<vmem>> -> memref<1x125x32xbf16, #tpu.memory_space<vmem>>
        %dma_start3A_504 = tpu.memref_squeeze %dma_start3A_503 : memref<1x125x32xbf16, #tpu.memory_space<vmem>> -> memref<125x32xbf16, #tpu.memory_space<vmem>>
        %dma_start3A_505 = arith.constant 0 : i32
        %dma_start3A_506 = tpu.memref_slice %arg5[%dma_start3A_498, %dma_start3A_499, %dma_start3A_505] : memref<4x4x125xi32, #tpu.memory_space<vmem>> -> memref<1x1x125xi32, #tpu.memory_space<vmem>>
        %dma_start3A_507 = tpu.memref_squeeze %dma_start3A_506 : memref<1x1x125xi32, #tpu.memory_space<vmem>> -> memref<125xi32, #tpu.memory_space<vmem>>
        %dma_start3A_508 = arith.constant 0 : i32
        %dma_start3A_509 = arith.constant 0 : i32
        %dma_start3A_510 = tpu.memref_slice %arg3[%dma_start3A_508, %dma_start3A_509] : memref<100000x32xbf16, #tpu.memory_space<hbm>> -> memref<100000x32xbf16, #tpu.memory_space<hbm>>
        tpu.enqueue_indirect_dma source(%dma_start3A_510 : memref<100000x32xbf16, #tpu.memory_space<hbm>>) target(%dma_start3A_504 : memref<125x32xbf16, #tpu.memory_space<vmem>>) offsets(%dma_start3A_507 : memref<125xi32, #tpu.memory_space<vmem>>) semaphore(%arg14 : memref<!tpu.dma_semaphore, #tpu.memory_space<semaphore_mem>>)
      } else {
      }
      %mul3A_381 = arith.constant 4 : i32
      %mul3A_382 = arith.muli %scan3A_229, %mul3A_381 : i32
      %add3A_383 = arith.constant 3 : i32
      %add3A_384 = arith.addi %mul3A_382, %add3A_383 : i32
      %dma_wait3A_385 = arith.constant 3 : i32
      %dma_wait3A_386 = arith.constant 0 : i32
      %dma_wait3A_387 = arith.constant 0 : i32
      %dma_wait3A_388 = tpu.memref_slice %arg6[%dma_wait3A_385, %dma_wait3A_386, %dma_wait3A_387] : memref<4x500x32xbf16, #tpu.memory_space<vmem>> -> memref<1x500x32xbf16, #tpu.memory_space<vmem>>
      %dma_wait3A_389 = tpu.memref_squeeze %dma_wait3A_388 : memref<1x500x32xbf16, #tpu.memory_space<vmem>> -> memref<500x32xbf16, #tpu.memory_space<vmem>>
      %dma_wait3A_390 = arith.constant 0 : i32
      %dma_wait3A_391 = arith.constant 0 : i32
      %dma_wait3A_392 = tpu.memref_slice %arg3[%dma_wait3A_390, %dma_wait3A_391] : memref<100000x32xbf16, #tpu.memory_space<hbm>> -> memref<500x32xbf16, #tpu.memory_space<hbm>>
      %dma_wait3A_393 = arith.constant 0 : i32
      %dma_wait3A_394 = arith.constant 0 : i32
      %dma_wait3A_395 = tpu.memref_slice %arg6[%dma_wait3A_385, %dma_wait3A_393, %dma_wait3A_394] : memref<4x500x32xbf16, #tpu.memory_space<vmem>> -> memref<1x500x32xbf16, #tpu.memory_space<vmem>>
      %dma_wait3A_396 = tpu.memref_squeeze %dma_wait3A_395 : memref<1x500x32xbf16, #tpu.memory_space<vmem>> -> memref<500x32xbf16, #tpu.memory_space<vmem>>
      %dma_wait3A_397 = arith.constant 0 : i32
      %dma_wait3A_398 = arith.constant 0 : i32
      %dma_wait3A_399 = tpu.memref_slice %arg3[%dma_wait3A_397, %dma_wait3A_398] : memref<100000x32xbf16, #tpu.memory_space<hbm>> -> memref<500x32xbf16, #tpu.memory_space<hbm>>
      tpu.wait_dma2 semaphore(%arg14 : memref<!tpu.dma_semaphore, #tpu.memory_space<semaphore_mem>>) src(%dma_wait3A_399 : memref<500x32xbf16, #tpu.memory_space<hbm>>) dst(%dma_wait3A_396 : memref<500x32xbf16, #tpu.memory_space<vmem>>)
      %add3A_400 = arith.constant 4 : i32
      %add3A_401 = arith.addi %add3A_384, %add3A_400 : i32
      %lt3A_402 = arith.constant 64 : i32
      %lt3A_403 = arith.cmpi slt, %add3A_401, %lt3A_402 : i32
      %convert_element_type3A_404 = arith.extui %lt3A_403 : i1 to i32
      %cond3A_405 = arith.constant 0 : i32
      %cond3A_406 = arith.cmpi ne, %convert_element_type3A_404, %cond3A_405 : i32
      scf.if %cond3A_406 {
        %add3A_433 = arith.constant 4 : i32
        %add3A_434 = arith.addi %add3A_384, %add3A_433 : i32
        %add3A_435 = arith.addi %mul3A_2, %add3A_434 : i32
        %dma_start3A_436 = arith.constant 3 : i32
        %dma_start3A_437 = arith.constant 0 : i32
        %dma_start3A_438 = arith.constant 0 : i32
        %dma_start3A_439 = tpu.memref_slice %arg5[%dma_start3A_436, %dma_start3A_437, %dma_start3A_438] : memref<4x4x125xi32, #tpu.memory_space<vmem>> -> memref<1x4x125xi32, #tpu.memory_space<vmem>>
        %dma_start3A_440 = tpu.memref_squeeze %dma_start3A_439 : memref<1x4x125xi32, #tpu.memory_space<vmem>> -> memref<4x125xi32, #tpu.memory_space<vmem>>
        %dma_start3A_441 = arith.constant 0 : i32
        %dma_start3A_442 = arith.constant 0 : i32
        %dma_start3A_443 = tpu.memref_slice %arg2[%add3A_435, %dma_start3A_441, %dma_start3A_442] : memref<2048x4x125xi32, #tpu.memory_space<hbm>> -> memref<1x4x125xi32, #tpu.memory_space<hbm>>
        %dma_start3A_444 = tpu.memref_squeeze %dma_start3A_443 : memref<1x4x125xi32, #tpu.memory_space<hbm>> -> memref<4x125xi32, #tpu.memory_space<hbm>>
        %dma_start3A_445 = arith.constant 0 : i32
        %dma_start3A_446 = arith.constant 0 : i32
        %dma_start3A_447 = tpu.memref_slice %arg5[%dma_start3A_436, %dma_start3A_445, %dma_start3A_446] : memref<4x4x125xi32, #tpu.memory_space<vmem>> -> memref<1x4x125xi32, #tpu.memory_space<vmem>>
        %dma_start3A_448 = tpu.memref_squeeze %dma_start3A_447 : memref<1x4x125xi32, #tpu.memory_space<vmem>> -> memref<4x125xi32, #tpu.memory_space<vmem>>
        %dma_start3A_449 = arith.constant 0 : i32
        %dma_start3A_450 = arith.constant 0 : i32
        %dma_start3A_451 = tpu.memref_slice %arg2[%add3A_435, %dma_start3A_449, %dma_start3A_450] : memref<2048x4x125xi32, #tpu.memory_space<hbm>> -> memref<1x4x125xi32, #tpu.memory_space<hbm>>
        %dma_start3A_452 = tpu.memref_squeeze %dma_start3A_451 : memref<1x4x125xi32, #tpu.memory_space<hbm>> -> memref<4x125xi32, #tpu.memory_space<hbm>>
        tpu.enqueue_dma source(%dma_start3A_452 : memref<4x125xi32, #tpu.memory_space<hbm>>) target(%dma_start3A_448 : memref<4x125xi32, #tpu.memory_space<vmem>>) target_semaphore(%arg10 : memref<!tpu.dma_semaphore, #tpu.memory_space<semaphore_mem>>)
      } else {
      }
      %add3A_407 = arith.addi %mul3A_2, %add3A_384 : i32
      %dma_start3A_408 = arith.constant 3 : i32
      %dma_start3A_409 = arith.constant 0 : i32
      %dma_start3A_410 = arith.constant 0 : i32
      %dma_start3A_411 = tpu.memref_slice %arg6[%dma_start3A_408, %dma_start3A_409, %dma_start3A_410] : memref<4x500x32xbf16, #tpu.memory_space<vmem>> -> memref<1x500x32xbf16, #tpu.memory_space<vmem>>
      %dma_start3A_412 = tpu.memref_squeeze %dma_start3A_411 : memref<1x500x32xbf16, #tpu.memory_space<vmem>> -> memref<500x32xbf16, #tpu.memory_space<vmem>>
      %dma_start3A_413 = arith.constant 0 : i32
      %dma_start3A_414 = arith.constant 0 : i32
      %dma_start3A_415 = tpu.memref_slice %arg4[%add3A_407, %dma_start3A_413, %dma_start3A_414] : memref<2048x500x32xbf16, #tpu.memory_space<hbm>> -> memref<1x500x32xbf16, #tpu.memory_space<hbm>>
      %dma_start3A_416 = tpu.memref_squeeze %dma_start3A_415 : memref<1x500x32xbf16, #tpu.memory_space<hbm>> -> memref<500x32xbf16, #tpu.memory_space<hbm>>
      %dma_start3A_417 = arith.constant 0 : i32
      %dma_start3A_418 = arith.constant 0 : i32
      %dma_start3A_419 = tpu.memref_slice %arg4[%add3A_407, %dma_start3A_417, %dma_start3A_418] : memref<2048x500x32xbf16, #tpu.memory_space<hbm>> -> memref<1x500x32xbf16, #tpu.memory_space<hbm>>
      %dma_start3A_420 = tpu.memref_squeeze %dma_start3A_419 : memref<1x500x32xbf16, #tpu.memory_space<hbm>> -> memref<500x32xbf16, #tpu.memory_space<hbm>>
      %dma_start3A_421 = arith.constant 0 : i32
      %dma_start3A_422 = arith.constant 0 : i32
      %dma_start3A_423 = tpu.memref_slice %arg6[%dma_start3A_408, %dma_start3A_421, %dma_start3A_422] : memref<4x500x32xbf16, #tpu.memory_space<vmem>> -> memref<1x500x32xbf16, #tpu.memory_space<vmem>>
      %dma_start3A_424 = tpu.memref_squeeze %dma_start3A_423 : memref<1x500x32xbf16, #tpu.memory_space<vmem>> -> memref<500x32xbf16, #tpu.memory_space<vmem>>
      tpu.enqueue_dma source(%dma_start3A_424 : memref<500x32xbf16, #tpu.memory_space<vmem>>) target(%dma_start3A_420 : memref<500x32xbf16, #tpu.memory_space<hbm>>) target_semaphore(%arg18 : memref<!tpu.dma_semaphore, #tpu.memory_space<semaphore_mem>>)
      %add3A_425 = arith.constant 1 : i32
      %add3A_426 = arith.addi %add3A_384, %add3A_425 : i32
      %lt3A_427 = arith.constant 64 : i32
      %lt3A_428 = arith.cmpi slt, %add3A_426, %lt3A_427 : i32
      %convert_element_type3A_429 = arith.extui %lt3A_428 : i1 to i32
      %cond3A_430 = arith.constant 0 : i32
      %cond3A_431 = arith.cmpi ne, %convert_element_type3A_429, %cond3A_430 : i32
      scf.if %cond3A_431 {
        %dma_wait3A_433 = arith.constant 0 : i32
        %dma_wait3A_434 = arith.constant 0 : i32
        %dma_wait3A_435 = arith.constant 0 : i32
        %dma_wait3A_436 = arith.constant 0 : i32
        %dma_wait3A_437 = tpu.memref_slice %arg5[%dma_wait3A_434, %dma_wait3A_435, %dma_wait3A_436] : memref<4x4x125xi32, #tpu.memory_space<vmem>> -> memref<1x4x125xi32, #tpu.memory_space<vmem>>
        %dma_wait3A_438 = tpu.memref_squeeze %dma_wait3A_437 : memref<1x4x125xi32, #tpu.memory_space<vmem>> -> memref<4x125xi32, #tpu.memory_space<vmem>>
        %dma_wait3A_439 = arith.constant 0 : i32
        %dma_wait3A_440 = arith.constant 0 : i32
        %dma_wait3A_441 = tpu.memref_slice %arg2[%dma_wait3A_433, %dma_wait3A_439, %dma_wait3A_440] : memref<2048x4x125xi32, #tpu.memory_space<hbm>> -> memref<1x4x125xi32, #tpu.memory_space<hbm>>
        %dma_wait3A_442 = tpu.memref_squeeze %dma_wait3A_441 : memref<1x4x125xi32, #tpu.memory_space<hbm>> -> memref<4x125xi32, #tpu.memory_space<hbm>>
        %dma_wait3A_443 = arith.constant 0 : i32
        %dma_wait3A_444 = arith.constant 0 : i32
        %dma_wait3A_445 = tpu.memref_slice %arg5[%dma_wait3A_434, %dma_wait3A_443, %dma_wait3A_444] : memref<4x4x125xi32, #tpu.memory_space<vmem>> -> memref<1x4x125xi32, #tpu.memory_space<vmem>>
        %dma_wait3A_446 = tpu.memref_squeeze %dma_wait3A_445 : memref<1x4x125xi32, #tpu.memory_space<vmem>> -> memref<4x125xi32, #tpu.memory_space<vmem>>
        %dma_wait3A_447 = arith.constant 0 : i32
        %dma_wait3A_448 = arith.constant 0 : i32
        %dma_wait3A_449 = tpu.memref_slice %arg2[%dma_wait3A_433, %dma_wait3A_447, %dma_wait3A_448] : memref<2048x4x125xi32, #tpu.memory_space<hbm>> -> memref<1x4x125xi32, #tpu.memory_space<hbm>>
        %dma_wait3A_450 = tpu.memref_squeeze %dma_wait3A_449 : memref<1x4x125xi32, #tpu.memory_space<hbm>> -> memref<4x125xi32, #tpu.memory_space<hbm>>
        tpu.wait_dma2 semaphore(%arg7 : memref<!tpu.dma_semaphore, #tpu.memory_space<semaphore_mem>>) src(%dma_wait3A_450 : memref<4x125xi32, #tpu.memory_space<hbm>>) dst(%dma_wait3A_446 : memref<4x125xi32, #tpu.memory_space<vmem>>)
        %add3A_451 = arith.constant 1 : i32
        %add3A_452 = arith.addi %add3A_384, %add3A_451 : i32
        %ge3A = arith.constant 4 : i32
        %ge3A_453 = arith.cmpi sge, %add3A_452, %ge3A : i32
        %convert_element_type3A_454 = arith.extui %ge3A_453 : i1 to i32
        %cond3A_455 = arith.constant 0 : i32
        %cond3A_456 = arith.cmpi ne, %convert_element_type3A_454, %cond3A_455 : i32
        scf.if %cond3A_456 {
          %add3A_511 = arith.constant 1 : i32
          %add3A_512 = arith.addi %add3A_384, %add3A_511 : i32
          %sub3A = arith.constant 4 : i32
          %sub3A_513 = arith.subi %add3A_512, %sub3A : i32
          %add3A_514 = arith.addi %mul3A_2, %sub3A_513 : i32
          %dma_wait3A_515 = arith.constant 0 : i32
          %dma_wait3A_516 = arith.constant 0 : i32
          %dma_wait3A_517 = arith.constant 0 : i32
          %dma_wait3A_518 = tpu.memref_slice %arg6[%dma_wait3A_515, %dma_wait3A_516, %dma_wait3A_517] : memref<4x500x32xbf16, #tpu.memory_space<vmem>> -> memref<1x500x32xbf16, #tpu.memory_space<vmem>>
          %dma_wait3A_519 = tpu.memref_squeeze %dma_wait3A_518 : memref<1x500x32xbf16, #tpu.memory_space<vmem>> -> memref<500x32xbf16, #tpu.memory_space<vmem>>
          %dma_wait3A_520 = arith.constant 0 : i32
          %dma_wait3A_521 = arith.constant 0 : i32
          %dma_wait3A_522 = tpu.memref_slice %arg4[%add3A_514, %dma_wait3A_520, %dma_wait3A_521] : memref<2048x500x32xbf16, #tpu.memory_space<hbm>> -> memref<1x500x32xbf16, #tpu.memory_space<hbm>>
          %dma_wait3A_523 = tpu.memref_squeeze %dma_wait3A_522 : memref<1x500x32xbf16, #tpu.memory_space<hbm>> -> memref<500x32xbf16, #tpu.memory_space<hbm>>
          %dma_wait3A_524 = arith.constant 0 : i32
          %dma_wait3A_525 = arith.constant 0 : i32
          %dma_wait3A_526 = tpu.memref_slice %arg4[%add3A_514, %dma_wait3A_524, %dma_wait3A_525] : memref<2048x500x32xbf16, #tpu.memory_space<hbm>> -> memref<1x500x32xbf16, #tpu.memory_space<hbm>>
          %dma_wait3A_527 = tpu.memref_squeeze %dma_wait3A_526 : memref<1x500x32xbf16, #tpu.memory_space<hbm>> -> memref<500x32xbf16, #tpu.memory_space<hbm>>
          %dma_wait3A_528 = arith.constant 0 : i32
          %dma_wait3A_529 = arith.constant 0 : i32
          %dma_wait3A_530 = tpu.memref_slice %arg6[%dma_wait3A_515, %dma_wait3A_528, %dma_wait3A_529] : memref<4x500x32xbf16, #tpu.memory_space<vmem>> -> memref<1x500x32xbf16, #tpu.memory_space<vmem>>
          %dma_wait3A_531 = tpu.memref_squeeze %dma_wait3A_530 : memref<1x500x32xbf16, #tpu.memory_space<vmem>> -> memref<500x32xbf16, #tpu.memory_space<vmem>>
          tpu.wait_dma2 semaphore(%arg15 : memref<!tpu.dma_semaphore, #tpu.memory_space<semaphore_mem>>) src(%dma_wait3A_531 : memref<500x32xbf16, #tpu.memory_space<vmem>>) dst(%dma_wait3A_527 : memref<500x32xbf16, #tpu.memory_space<hbm>>)
        } else {
        }
        %add3A_457 = arith.constant 1 : i32
        %add3A_458 = arith.addi %add3A_384, %add3A_457 : i32
        %dma_start3A_459 = arith.constant 0 : i32
        %dma_start3A_460 = arith.constant 0 : i32
        %dma_start3A_461 = arith.constant 0 : i32
        %dma_start3A_462 = arith.constant 0 : i32
        %dma_start3A_463 = arith.constant 0 : i32
        %dma_start3A_464 = tpu.memref_slice %arg6[%dma_start3A_461, %dma_start3A_462, %dma_start3A_463] : memref<4x500x32xbf16, #tpu.memory_space<vmem>> -> memref<1x125x32xbf16, #tpu.memory_space<vmem>>
        %dma_start3A_465 = tpu.memref_squeeze %dma_start3A_464 : memref<1x125x32xbf16, #tpu.memory_space<vmem>> -> memref<125x32xbf16, #tpu.memory_space<vmem>>
        %dma_start3A_466 = arith.constant 0 : i32
        %dma_start3A_467 = tpu.memref_slice %arg5[%dma_start3A_459, %dma_start3A_460, %dma_start3A_466] : memref<4x4x125xi32, #tpu.memory_space<vmem>> -> memref<1x1x125xi32, #tpu.memory_space<vmem>>
        %dma_start3A_468 = tpu.memref_squeeze %dma_start3A_467 : memref<1x1x125xi32, #tpu.memory_space<vmem>> -> memref<125xi32, #tpu.memory_space<vmem>>
        %dma_start3A_469 = arith.constant 0 : i32
        %dma_start3A_470 = arith.constant 0 : i32
        %dma_start3A_471 = tpu.memref_slice %arg3[%dma_start3A_469, %dma_start3A_470] : memref<100000x32xbf16, #tpu.memory_space<hbm>> -> memref<100000x32xbf16, #tpu.memory_space<hbm>>
        tpu.enqueue_indirect_dma source(%dma_start3A_471 : memref<100000x32xbf16, #tpu.memory_space<hbm>>) target(%dma_start3A_465 : memref<125x32xbf16, #tpu.memory_space<vmem>>) offsets(%dma_start3A_468 : memref<125xi32, #tpu.memory_space<vmem>>) semaphore(%arg11 : memref<!tpu.dma_semaphore, #tpu.memory_space<semaphore_mem>>)
        %dma_start3A_472 = arith.constant 0 : i32
        %dma_start3A_473 = arith.constant 1 : i32
        %dma_start3A_474 = arith.constant 0 : i32
        %dma_start3A_475 = arith.constant 125 : i32
        %dma_start3A_476 = arith.constant 0 : i32
        %dma_start3A_477 = tpu.memref_slice %arg6[%dma_start3A_474, %dma_start3A_475, %dma_start3A_476] : memref<4x500x32xbf16, #tpu.memory_space<vmem>> -> memref<1x125x32xbf16, #tpu.memory_space<vmem>>
        %dma_start3A_478 = tpu.memref_squeeze %dma_start3A_477 : memref<1x125x32xbf16, #tpu.memory_space<vmem>> -> memref<125x32xbf16, #tpu.memory_space<vmem>>
        %dma_start3A_479 = arith.constant 0 : i32
        %dma_start3A_480 = tpu.memref_slice %arg5[%dma_start3A_472, %dma_start3A_473, %dma_start3A_479] : memref<4x4x125xi32, #tpu.memory_space<vmem>> -> memref<1x1x125xi32, #tpu.memory_space<vmem>>
        %dma_start3A_481 = tpu.memref_squeeze %dma_start3A_480 : memref<1x1x125xi32, #tpu.memory_space<vmem>> -> memref<125xi32, #tpu.memory_space<vmem>>
        %dma_start3A_482 = arith.constant 0 : i32
        %dma_start3A_483 = arith.constant 0 : i32
        %dma_start3A_484 = tpu.memref_slice %arg3[%dma_start3A_482, %dma_start3A_483] : memref<100000x32xbf16, #tpu.memory_space<hbm>> -> memref<100000x32xbf16, #tpu.memory_space<hbm>>
        tpu.enqueue_indirect_dma source(%dma_start3A_484 : memref<100000x32xbf16, #tpu.memory_space<hbm>>) target(%dma_start3A_478 : memref<125x32xbf16, #tpu.memory_space<vmem>>) offsets(%dma_start3A_481 : memref<125xi32, #tpu.memory_space<vmem>>) semaphore(%arg11 : memref<!tpu.dma_semaphore, #tpu.memory_space<semaphore_mem>>)
        %dma_start3A_485 = arith.constant 0 : i32
        %dma_start3A_486 = arith.constant 2 : i32
        %dma_start3A_487 = arith.constant 0 : i32
        %dma_start3A_488 = arith.constant 250 : i32
        %dma_start3A_489 = arith.constant 0 : i32
        %dma_start3A_490 = tpu.memref_slice %arg6[%dma_start3A_487, %dma_start3A_488, %dma_start3A_489] : memref<4x500x32xbf16, #tpu.memory_space<vmem>> -> memref<1x125x32xbf16, #tpu.memory_space<vmem>>
        %dma_start3A_491 = tpu.memref_squeeze %dma_start3A_490 : memref<1x125x32xbf16, #tpu.memory_space<vmem>> -> memref<125x32xbf16, #tpu.memory_space<vmem>>
        %dma_start3A_492 = arith.constant 0 : i32
        %dma_start3A_493 = tpu.memref_slice %arg5[%dma_start3A_485, %dma_start3A_486, %dma_start3A_492] : memref<4x4x125xi32, #tpu.memory_space<vmem>> -> memref<1x1x125xi32, #tpu.memory_space<vmem>>
        %dma_start3A_494 = tpu.memref_squeeze %dma_start3A_493 : memref<1x1x125xi32, #tpu.memory_space<vmem>> -> memref<125xi32, #tpu.memory_space<vmem>>
        %dma_start3A_495 = arith.constant 0 : i32
        %dma_start3A_496 = arith.constant 0 : i32
        %dma_start3A_497 = tpu.memref_slice %arg3[%dma_start3A_495, %dma_start3A_496] : memref<100000x32xbf16, #tpu.memory_space<hbm>> -> memref<100000x32xbf16, #tpu.memory_space<hbm>>
        tpu.enqueue_indirect_dma source(%dma_start3A_497 : memref<100000x32xbf16, #tpu.memory_space<hbm>>) target(%dma_start3A_491 : memref<125x32xbf16, #tpu.memory_space<vmem>>) offsets(%dma_start3A_494 : memref<125xi32, #tpu.memory_space<vmem>>) semaphore(%arg11 : memref<!tpu.dma_semaphore, #tpu.memory_space<semaphore_mem>>)
        %dma_start3A_498 = arith.constant 0 : i32
        %dma_start3A_499 = arith.constant 3 : i32
        %dma_start3A_500 = arith.constant 0 : i32
        %dma_start3A_501 = arith.constant 375 : i32
        %dma_start3A_502 = arith.constant 0 : i32
        %dma_start3A_503 = tpu.memref_slice %arg6[%dma_start3A_500, %dma_start3A_501, %dma_start3A_502] : memref<4x500x32xbf16, #tpu.memory_space<vmem>> -> memref<1x125x32xbf16, #tpu.memory_space<vmem>>
        %dma_start3A_504 = tpu.memref_squeeze %dma_start3A_503 : memref<1x125x32xbf16, #tpu.memory_space<vmem>> -> memref<125x32xbf16, #tpu.memory_space<vmem>>
        %dma_start3A_505 = arith.constant 0 : i32
        %dma_start3A_506 = tpu.memref_slice %arg5[%dma_start3A_498, %dma_start3A_499, %dma_start3A_505] : memref<4x4x125xi32, #tpu.memory_space<vmem>> -> memref<1x1x125xi32, #tpu.memory_space<vmem>>
        %dma_start3A_507 = tpu.memref_squeeze %dma_start3A_506 : memref<1x1x125xi32, #tpu.memory_space<vmem>> -> memref<125xi32, #tpu.memory_space<vmem>>
        %dma_start3A_508 = arith.constant 0 : i32
        %dma_start3A_509 = arith.constant 0 : i32
        %dma_start3A_510 = tpu.memref_slice %arg3[%dma_start3A_508, %dma_start3A_509] : memref<100000x32xbf16, #tpu.memory_space<hbm>> -> memref<100000x32xbf16, #tpu.memory_space<hbm>>
        tpu.enqueue_indirect_dma source(%dma_start3A_510 : memref<100000x32xbf16, #tpu.memory_space<hbm>>) target(%dma_start3A_504 : memref<125x32xbf16, #tpu.memory_space<vmem>>) offsets(%dma_start3A_507 : memref<125xi32, #tpu.memory_space<vmem>>) semaphore(%arg11 : memref<!tpu.dma_semaphore, #tpu.memory_space<semaphore_mem>>)
      } else {
      }
      %scan3A_432 = arith.constant 0 : i32
      scf.yield %scan3A_432 : i32
    }
    %scan3A_152 = arith.constant 16 : i32
    %add3A_153 = arith.constant 60 : i32
    %add3A_154 = arith.addi %mul3A_2, %add3A_153 : i32
    %dma_wait3A_155 = arith.constant 0 : i32
    %dma_wait3A_156 = arith.constant 0 : i32
    %dma_wait3A_157 = arith.constant 0 : i32
    %dma_wait3A_158 = tpu.memref_slice %arg6[%dma_wait3A_155, %dma_wait3A_156, %dma_wait3A_157] : memref<4x500x32xbf16, #tpu.memory_space<vmem>> -> memref<1x500x32xbf16, #tpu.memory_space<vmem>>
    %dma_wait3A_159 = tpu.memref_squeeze %dma_wait3A_158 : memref<1x500x32xbf16, #tpu.memory_space<vmem>> -> memref<500x32xbf16, #tpu.memory_space<vmem>>
    %dma_wait3A_160 = arith.constant 0 : i32
    %dma_wait3A_161 = arith.constant 0 : i32
    %dma_wait3A_162 = tpu.memref_slice %arg4[%add3A_154, %dma_wait3A_160, %dma_wait3A_161] : memref<2048x500x32xbf16, #tpu.memory_space<hbm>> -> memref<1x500x32xbf16, #tpu.memory_space<hbm>>
    %dma_wait3A_163 = tpu.memref_squeeze %dma_wait3A_162 : memref<1x500x32xbf16, #tpu.memory_space<hbm>> -> memref<500x32xbf16, #tpu.memory_space<hbm>>
    %dma_wait3A_164 = arith.constant 0 : i32
    %dma_wait3A_165 = arith.constant 0 : i32
    %dma_wait3A_166 = tpu.memref_slice %arg4[%add3A_154, %dma_wait3A_164, %dma_wait3A_165] : memref<2048x500x32xbf16, #tpu.memory_space<hbm>> -> memref<1x500x32xbf16, #tpu.memory_space<hbm>>
    %dma_wait3A_167 = tpu.memref_squeeze %dma_wait3A_166 : memref<1x500x32xbf16, #tpu.memory_space<hbm>> -> memref<500x32xbf16, #tpu.memory_space<hbm>>
    %dma_wait3A_168 = arith.constant 0 : i32
    %dma_wait3A_169 = arith.constant 0 : i32
    %dma_wait3A_170 = tpu.memref_slice %arg6[%dma_wait3A_155, %dma_wait3A_168, %dma_wait3A_169] : memref<4x500x32xbf16, #tpu.memory_space<vmem>> -> memref<1x500x32xbf16, #tpu.memory_space<vmem>>
    %dma_wait3A_171 = tpu.memref_squeeze %dma_wait3A_170 : memref<1x500x32xbf16, #tpu.memory_space<vmem>> -> memref<500x32xbf16, #tpu.memory_space<vmem>>
    tpu.wait_dma2 semaphore(%arg15 : memref<!tpu.dma_semaphore, #tpu.memory_space<semaphore_mem>>) src(%dma_wait3A_171 : memref<500x32xbf16, #tpu.memory_space<vmem>>) dst(%dma_wait3A_167 : memref<500x32xbf16, #tpu.memory_space<hbm>>)
    %add3A_172 = arith.constant 61 : i32
    %add3A_173 = arith.addi %mul3A_2, %add3A_172 : i32
    %dma_wait3A_174 = arith.constant 1 : i32
    %dma_wait3A_175 = arith.constant 0 : i32
    %dma_wait3A_176 = arith.constant 0 : i32
    %dma_wait3A_177 = tpu.memref_slice %arg6[%dma_wait3A_174, %dma_wait3A_175, %dma_wait3A_176] : memref<4x500x32xbf16, #tpu.memory_space<vmem>> -> memref<1x500x32xbf16, #tpu.memory_space<vmem>>
    %dma_wait3A_178 = tpu.memref_squeeze %dma_wait3A_177 : memref<1x500x32xbf16, #tpu.memory_space<vmem>> -> memref<500x32xbf16, #tpu.memory_space<vmem>>
    %dma_wait3A_179 = arith.constant 0 : i32
    %dma_wait3A_180 = arith.constant 0 : i32
    %dma_wait3A_181 = tpu.memref_slice %arg4[%add3A_173, %dma_wait3A_179, %dma_wait3A_180] : memref<2048x500x32xbf16, #tpu.memory_space<hbm>> -> memref<1x500x32xbf16, #tpu.memory_space<hbm>>
    %dma_wait3A_182 = tpu.memref_squeeze %dma_wait3A_181 : memref<1x500x32xbf16, #tpu.memory_space<hbm>> -> memref<500x32xbf16, #tpu.memory_space<hbm>>
    %dma_wait3A_183 = arith.constant 0 : i32
    %dma_wait3A_184 = arith.constant 0 : i32
    %dma_wait3A_185 = tpu.memref_slice %arg4[%add3A_173, %dma_wait3A_183, %dma_wait3A_184] : memref<2048x500x32xbf16, #tpu.memory_space<hbm>> -> memref<1x500x32xbf16, #tpu.memory_space<hbm>>
    %dma_wait3A_186 = tpu.memref_squeeze %dma_wait3A_185 : memref<1x500x32xbf16, #tpu.memory_space<hbm>> -> memref<500x32xbf16, #tpu.memory_space<hbm>>
    %dma_wait3A_187 = arith.constant 0 : i32
    %dma_wait3A_188 = arith.constant 0 : i32
    %dma_wait3A_189 = tpu.memref_slice %arg6[%dma_wait3A_174, %dma_wait3A_187, %dma_wait3A_188] : memref<4x500x32xbf16, #tpu.memory_space<vmem>> -> memref<1x500x32xbf16, #tpu.memory_space<vmem>>
    %dma_wait3A_190 = tpu.memref_squeeze %dma_wait3A_189 : memref<1x500x32xbf16, #tpu.memory_space<vmem>> -> memref<500x32xbf16, #tpu.memory_space<vmem>>
    tpu.wait_dma2 semaphore(%arg16 : memref<!tpu.dma_semaphore, #tpu.memory_space<semaphore_mem>>) src(%dma_wait3A_190 : memref<500x32xbf16, #tpu.memory_space<vmem>>) dst(%dma_wait3A_186 : memref<500x32xbf16, #tpu.memory_space<hbm>>)
    %add3A_191 = arith.constant 62 : i32
    %add3A_192 = arith.addi %mul3A_2, %add3A_191 : i32
    %dma_wait3A_193 = arith.constant 2 : i32
    %dma_wait3A_194 = arith.constant 0 : i32
    %dma_wait3A_195 = arith.constant 0 : i32
    %dma_wait3A_196 = tpu.memref_slice %arg6[%dma_wait3A_193, %dma_wait3A_194, %dma_wait3A_195] : memref<4x500x32xbf16, #tpu.memory_space<vmem>> -> memref<1x500x32xbf16, #tpu.memory_space<vmem>>
    %dma_wait3A_197 = tpu.memref_squeeze %dma_wait3A_196 : memref<1x500x32xbf16, #tpu.memory_space<vmem>> -> memref<500x32xbf16, #tpu.memory_space<vmem>>
    %dma_wait3A_198 = arith.constant 0 : i32
    %dma_wait3A_199 = arith.constant 0 : i32
    %dma_wait3A_200 = tpu.memref_slice %arg4[%add3A_192, %dma_wait3A_198, %dma_wait3A_199] : memref<2048x500x32xbf16, #tpu.memory_space<hbm>> -> memref<1x500x32xbf16, #tpu.memory_space<hbm>>
    %dma_wait3A_201 = tpu.memref_squeeze %dma_wait3A_200 : memref<1x500x32xbf16, #tpu.memory_space<hbm>> -> memref<500x32xbf16, #tpu.memory_space<hbm>>
    %dma_wait3A_202 = arith.constant 0 : i32
    %dma_wait3A_203 = arith.constant 0 : i32
    %dma_wait3A_204 = tpu.memref_slice %arg4[%add3A_192, %dma_wait3A_202, %dma_wait3A_203] : memref<2048x500x32xbf16, #tpu.memory_space<hbm>> -> memref<1x500x32xbf16, #tpu.memory_space<hbm>>
    %dma_wait3A_205 = tpu.memref_squeeze %dma_wait3A_204 : memref<1x500x32xbf16, #tpu.memory_space<hbm>> -> memref<500x32xbf16, #tpu.memory_space<hbm>>
    %dma_wait3A_206 = arith.constant 0 : i32
    %dma_wait3A_207 = arith.constant 0 : i32
    %dma_wait3A_208 = tpu.memref_slice %arg6[%dma_wait3A_193, %dma_wait3A_206, %dma_wait3A_207] : memref<4x500x32xbf16, #tpu.memory_space<vmem>> -> memref<1x500x32xbf16, #tpu.memory_space<vmem>>
    %dma_wait3A_209 = tpu.memref_squeeze %dma_wait3A_208 : memref<1x500x32xbf16, #tpu.memory_space<vmem>> -> memref<500x32xbf16, #tpu.memory_space<vmem>>
    tpu.wait_dma2 semaphore(%arg17 : memref<!tpu.dma_semaphore, #tpu.memory_space<semaphore_mem>>) src(%dma_wait3A_209 : memref<500x32xbf16, #tpu.memory_space<vmem>>) dst(%dma_wait3A_205 : memref<500x32xbf16, #tpu.memory_space<hbm>>)
    %add3A_210 = arith.constant 63 : i32
    %add3A_211 = arith.addi %mul3A_2, %add3A_210 : i32
    %dma_wait3A_212 = arith.constant 3 : i32
    %dma_wait3A_213 = arith.constant 0 : i32
    %dma_wait3A_214 = arith.constant 0 : i32
    %dma_wait3A_215 = tpu.memref_slice %arg6[%dma_wait3A_212, %dma_wait3A_213, %dma_wait3A_214] : memref<4x500x32xbf16, #tpu.memory_space<vmem>> -> memref<1x500x32xbf16, #tpu.memory_space<vmem>>
    %dma_wait3A_216 = tpu.memref_squeeze %dma_wait3A_215 : memref<1x500x32xbf16, #tpu.memory_space<vmem>> -> memref<500x32xbf16, #tpu.memory_space<vmem>>
    %dma_wait3A_217 = arith.constant 0 : i32
    %dma_wait3A_218 = arith.constant 0 : i32
    %dma_wait3A_219 = tpu.memref_slice %arg4[%add3A_211, %dma_wait3A_217, %dma_wait3A_218] : memref<2048x500x32xbf16, #tpu.memory_space<hbm>> -> memref<1x500x32xbf16, #tpu.memory_space<hbm>>
    %dma_wait3A_220 = tpu.memref_squeeze %dma_wait3A_219 : memref<1x500x32xbf16, #tpu.memory_space<hbm>> -> memref<500x32xbf16, #tpu.memory_space<hbm>>
    %dma_wait3A_221 = arith.constant 0 : i32
    %dma_wait3A_222 = arith.constant 0 : i32
    %dma_wait3A_223 = tpu.memref_slice %arg4[%add3A_211, %dma_wait3A_221, %dma_wait3A_222] : memref<2048x500x32xbf16, #tpu.memory_space<hbm>> -> memref<1x500x32xbf16, #tpu.memory_space<hbm>>
    %dma_wait3A_224 = tpu.memref_squeeze %dma_wait3A_223 : memref<1x500x32xbf16, #tpu.memory_space<hbm>> -> memref<500x32xbf16, #tpu.memory_space<hbm>>
    %dma_wait3A_225 = arith.constant 0 : i32
    %dma_wait3A_226 = arith.constant 0 : i32
    %dma_wait3A_227 = tpu.memref_slice %arg6[%dma_wait3A_212, %dma_wait3A_225, %dma_wait3A_226] : memref<4x500x32xbf16, #tpu.memory_space<vmem>> -> memref<1x500x32xbf16, #tpu.memory_space<vmem>>
    %dma_wait3A_228 = tpu.memref_squeeze %dma_wait3A_227 : memref<1x500x32xbf16, #tpu.memory_space<vmem>> -> memref<500x32xbf16, #tpu.memory_space<vmem>>
    tpu.wait_dma2 semaphore(%arg18 : memref<!tpu.dma_semaphore, #tpu.memory_space<semaphore_mem>>) src(%dma_wait3A_228 : memref<500x32xbf16, #tpu.memory_space<vmem>>) dst(%dma_wait3A_224 : memref<500x32xbf16, #tpu.memory_space<hbm>>)
    return
  }
}

module attributes {stable_mosaic.version = 14 : i64} {
  func.func @_tc_body(%arg0: i32, %arg1: memref<16x250x128xbf16, #tpu.memory_space<vmem>>, %arg2: memref<250x128xf32, #tpu.memory_space<vmem>>, %arg3: memref<250x128xf32, #tpu.memory_space<vmem>>, %arg4: memref<16x250x128xf32, #tpu.memory_space<vmem>>) attributes {dimension_semantics = [#tpu.dimension_semantics<arbitrary>], iteration_bounds = array<i64: 64>, scalar_prefetch = 0 : i64, scratch_operands = 0 : i64, tpu.core_type = #tpu.core_type<tc>, window_params = [{transform_indices = @transform_0, window_bounds = array<i64: 16, 250, 128>}, {pipeline_mode = #tpu.pipeline_mode<synchronous>, transform_indices = @transform_1, window_bounds = array<i64: 250, 128>}, {pipeline_mode = #tpu.pipeline_mode<synchronous>, transform_indices = @transform_2, window_bounds = array<i64: 250, 128>}, {transform_indices = @transform_3, window_bounds = array<i64: 16, 250, 128>}]} {
    %get3A = arith.constant 0 : index
    %get3A_0 = arith.constant 0 : index
    %get3A_1 = arith.constant 0 : index
    %get3A_2 = vector.load %arg1[%get3A, %get3A_0, %get3A_1] : memref<16x250x128xbf16, #tpu.memory_space<vmem>>, vector<16x250x128xbf16>
    %convert_element_type3A = arith.extf %get3A_2 : vector<16x250x128xbf16> to vector<16x250x128xf32>
    %get3A_3 = arith.constant 0 : index
    %get3A_4 = arith.constant 0 : index
    %get3A_5 = vector.load %arg2[%get3A_3, %get3A_4] : memref<250x128xf32, #tpu.memory_space<vmem>>, vector<250x128xf32>
    %broadcast_in_dim3A = vector.shape_cast %get3A_5 : vector<250x128xf32> to vector<1x250x128xf32>
    %mul3A = vector.broadcast %broadcast_in_dim3A : vector<1x250x128xf32> to vector<16x250x128xf32>
    %mul3A_6 = arith.mulf %convert_element_type3A, %mul3A : vector<16x250x128xf32>
    %get3A_7 = arith.constant 0 : index
    %get3A_8 = arith.constant 0 : index
    %get3A_9 = vector.load %arg3[%get3A_7, %get3A_8] : memref<250x128xf32, #tpu.memory_space<vmem>>, vector<250x128xf32>
    %broadcast_in_dim3A_10 = vector.shape_cast %get3A_9 : vector<250x128xf32> to vector<1x250x128xf32>
    %add3A = vector.broadcast %broadcast_in_dim3A_10 : vector<1x250x128xf32> to vector<16x250x128xf32>
    %add3A_11 = arith.addf %mul3A_6, %add3A : vector<16x250x128xf32>
    %swap3A = arith.constant 0 : index
    %swap3A_12 = arith.constant 0 : index
    %swap3A_13 = arith.constant 0 : index
    %swap3A_14 = vector.load %arg4[%swap3A, %swap3A_12, %swap3A_13] : memref<16x250x128xf32, #tpu.memory_space<vmem>>, vector<16x250x128xf32>
    tpu.vector_store %arg4[%swap3A, %swap3A_12, %swap3A_13], %add3A_11 {strides = array<i32>} : memref<16x250x128xf32, #tpu.memory_space<vmem>>, vector<16x250x128xf32>,
    return
  }
  func.func @transform_0(%arg0: i32) -> (i32, i32, i32) {
    %c0_i32 = arith.constant 0 : i32
    %c0_i32_0 = arith.constant 0 : i32
    %c0_i32_1 = arith.constant 0 : i32
    return %arg0, %c0_i32, %c0_i32_0 : i32, i32, i32
  }
  func.func @transform_1(%arg0: i32) -> (i32, i32) {
    %c0_i32 = arith.constant 0 : i32
    %c0_i32_0 = arith.constant 0 : i32
    %c0_i32_1 = arith.constant 0 : i32
    return %c0_i32, %c0_i32_0 : i32, i32
  }
  func.func @transform_2(%arg0: i32) -> (i32, i32) {
    %c0_i32 = arith.constant 0 : i32
    %c0_i32_0 = arith.constant 0 : i32
    %c0_i32_1 = arith.constant 0 : i32
    return %c0_i32, %c0_i32_0 : i32, i32
  }
  func.func @transform_3(%arg0: i32) -> (i32, i32, i32) {
    %c0_i32 = arith.constant 0 : i32
    %c0_i32_0 = arith.constant 0 : i32
    %c0_i32_1 = arith.constant 0 : i32
    return %arg0, %c0_i32, %c0_i32_0 : i32, i32, i32
  }
}

</mosaic_0001>

<sc_bundles>
// kernel: kernel.4.cloned.1.call-start
scs
__scs_entry_jumppad:
0x0: {  	(pc) =	sbr.rel $0x88, $3  }
0x1: {  	(tag) =	ssettag $0x0;
	lr =	simm.s32 $0x1  }
0x2: {  	[smem:$0x3F9E] =	sst lr;
	_ =	strace $0xD0000000  }
0x3: {  	_ = 	snop  }
0x4: {  	_ = 	snop  }
0x5: {  	_ = 	snop  }
0x6: {  	_ = 	snop  }
0x7: {  	_ = 	snop  }
__scs_overlays_trampoline_lowered:
0x8: {  	[smem:$0x3FAD] =	sst s0  }
0x9: {  	[smem:$0x3FAE] =	sst s1  }
0xa: {  	[smem:$0x3FAF] =	sst s2  }
0xb: {  	[smem:$0x3FB0] =	sst s3  }
0xc: {  	[smem:$0x3FB1] =	sst s4  }
0xd: {  	[smem:$0x3FB2] =	sst s5  }
0xe: {  	[smem:$0x3FB3] =	sst s6  }
0xf: {  	[smem:$0x3FB4] =	sst s7  }
0x10: {  	[smem:$0x3FB5] =	sst s8  }
0x11: {  	[smem:$0x3FB6] =	sst s9;
	s0 =	simm.s32 @!p0 $0x0  }
0x12: {  	s1 =	sld [smem:$0x3F9C];
	s0 =	simm.s32 @p0 $0x1  }
0x13: {  	[smem:$0x3FB7] =	sst s0;
	s0 =	simm.s32 @!p1 $0x0  }
0x14: {  	s2 =	sld [smem:$0x3F9B];
	s0 =	simm.s32 @p1 $0x1  }
0x15: {  	[smem:$0x3FB8] =	sst s0;
	s0 =	simm.s32 @!p2 $0x0  }
0x16: {  	s3 =	sld [smem:$0x3FDB];
	s0 =	simm.s32 @p2 $0x1  }
0x17: {  	s4 =	simm.s32 $0x1BF5;
	[smem:$0x3FBA] =	sst s0  }
0x18: {  	s0 =	sld [smem:$0x3F9D];
	_ =	swait.ge [sflag:s4], $0x0  }
0x19: {  	s7 =	sld [smem:$0x3F9E]  }
0x1a: {  	s8 =	sadd.s32 $0xFFFFE003, lr  }
0x1b: {  	s9 =	sadd.s32 $0xFFFFFEF7, lr;
	s5 =	simm.s32 $0xFFFFFFFF;
	p2 =	slt.u32 s8, $0xFFFFF086  }
0x1c: {  	p1 =	slt.u32 s9, $0xF7A;
	s5 =	simm.s32 @!p2 $0x0  }
0x1d: {  	s5 =	simm.s32 @p1 $0x1;
	p0 =	seq.s32 s7, s2  }
0x1e: {  	s7 =	smul.u32 @!p0 $0xF7A, s2;
	p2 =	seq.s32 @!p0 s5, $0x0  }
0x1f: {  	s9 =	smul.u32 $0xF7A, s1;
	s8 =	simm.s32 @!p0 $0x1BF5;
	p2 =	por !p2, p0  }
0x20: {  	[sflag:s8] =	ssyncset.s32 @!p0 $0xFFFFF086;
	s6 =	sadd.s32 @!p0 s3, s7;
	s7 =	simm.s32 @!p0 $0x108  }
0x21: {  	s3 =	sadd.s32 s3, s9;
	s6 =	sadd.s32 @!p0 $0x88, s6;
	s7 =	simm.s32 @p2 $0x1082  }
0x22: {  	[simem:s7], [sflag:s8] =	dma.local @!p0 [hbm:s6], $0xF7A  }
0x23: {  	s9 =	sor.u32 $0xD0000000, s2;
	s6 =	simm.s32 $0x108;
	_ =	swait.ge @!p0 [sflag:s8], $0x0  }
0x24: {  	s3 =	sadd.s32 $0x88, s3;
	s6 =	simm.s32 @!p1 $0x1082;
	[sflag:s4] =	ssyncset.s32 $0xFFFFF086  }
0x25: {  	[simem:s6], [sflag:s4] =	dma.local [hbm:s3], $0xF7A  }
0x26: {  	[smem:$0x3F9E] =	sst s1;
	(tag) =	ssettag s2;
	_ =	strace s9  }
0x27: {  	s1 =	sld [smem:$0x3FAE]  }
0x28: {  	s2 =	sld [smem:$0x3FAF]  }
0x29: {  	s4 =	sld [smem:$0x3FB1]  }
0x2a: {  	p0 =	seq.s32 s5, $0x0;
	s5 =	sld [smem:$0x3FB2]  }
0x2b: {  	s6 =	sld [smem:$0x3FB3]  }
0x2c: {  	s7 =	sld [smem:$0x3FB4]  }
0x2d: {  	s3 =	simm.s32 $0x108;
	s8 =	sld [smem:$0x3FB5]  }
0x2e: {  	s3 =	simm.s32 @!p0 $0x1082;
	s9 =	sld [smem:$0x3FB6]  }
0x2f: {  	lr =	sadd.s32 s0, s3;
	s0 =	sld [smem:$0x3FAD]  }
0x30: {  	s3 =	sld [smem:$0x3FB0]  }
0x31: {  	[smem:$0x3FB9] =	sst s10  }
0x32: {  	s10 =	sld [smem:$0x3FB7];
	_ =	sdelay $0x3  }
0x33: {  	p0 =	seq.s32 s10, $0x1;
	s10 =	sld [smem:$0x3FB9];
	_ =	sdelay $0x3  }
0x34: {  	[smem:$0x3FB9] =	sst s10  }
0x35: {  	s10 =	sld [smem:$0x3FB8];
	_ =	sdelay $0x3  }
0x36: {  	p1 =	seq.s32 s10, $0x1;
	s10 =	sld [smem:$0x3FB9];
	_ =	sdelay $0x3  }
0x37: {  	[smem:$0x3FB9] =	sst s10  }
0x38: {  	s10 =	sld [smem:$0x3FBA]  }
0x39: {  	_ = 	snop;
	(pc) =	sbr.ind lr, $3  }
0x3a: {  	_ = 	snop  }
0x3b: {  	_ = 	snop  }
0x3c: {  	p2 =	seq.s32 s10, $0x1;
	s10 =	sld [smem:$0x3FB9]  }
0x3d: {  	_ =	shalt  }
0x3e: {  	_ =	shalt  }
0x3f: {  	_ =	shalt  }
0x40: {  	_ =	shalt  }
0x41: {  	_ =	shalt  }
0x42: {  	_ =	shalt  }
0x43: {  	_ =	shalt  }
0x44: {  	_ =	shalt  }
0x45: {  	_ =	shalt  }
0x46: {  	_ =	shalt  }
0x47: {  	_ =	shalt  }
0x48: {  	_ =	shalt  }
0x49: {  	_ =	shalt  }
0x4a: {  	_ =	shalt  }
0x4b: {  	_ =	shalt  }
0x4c: {  	_ =	shalt  }
0x4d: {  	_ =	shalt  }
0x4e: {  	_ =	shalt  }
0x4f: {  	_ =	shalt  }
0x50: {  	_ =	shalt  }
0x51: {  	_ =	shalt  }
0x52: {  	_ =	shalt  }
0x53: {  	_ =	shalt  }
0x54: {  	_ =	shalt  }
0x55: {  	_ =	shalt  }
0x56: {  	_ =	shalt  }
0x57: {  	_ =	shalt  }
0x58: {  	_ =	shalt  }
0x59: {  	_ =	shalt  }
0x5a: {  	_ =	shalt  }
0x5b: {  	_ =	shalt  }
0x5c: {  	_ =	shalt  }
0x5d: {  	_ =	shalt  }
0x5e: {  	_ =	shalt  }
0x5f: {  	_ =	shalt  }
0x60: {  	_ =	shalt  }
0x61: {  	_ =	shalt  }
0x62: {  	_ =	shalt  }
0x63: {  	_ =	shalt  }
0x64: {  	_ =	shalt  }
0x65: {  	_ =	shalt  }
0x66: {  	_ =	shalt  }
0x67: {  	_ =	shalt  }
0x68: {  	_ =	shalt  }
0x69: {  	_ =	shalt  }
0x6a: {  	_ =	shalt  }
0x6b: {  	_ =	shalt  }
0x6c: {  	_ =	shalt  }
0x6d: {  	_ =	shalt  }
0x6e: {  	_ =	shalt  }
0x6f: {  	_ =	shalt  }
0x70: {  	_ =	shalt  }
0x71: {  	_ =	shalt  }
0x72: {  	_ =	shalt  }
0x73: {  	_ =	shalt  }
0x74: {  	_ =	shalt  }
0x75: {  	_ =	shalt  }
0x76: {  	_ =	shalt  }
0x77: {  	_ =	shalt  }
0x78: {  	_ =	shalt  }
0x79: {  	_ =	shalt  }
0x7a: {  	_ =	shalt  }
0x7b: {  	_ =	shalt  }
0x7c: {  	_ =	shalt  }
0x7d: {  	_ =	shalt  }
0x7e: {  	_ =	shalt  }
0x7f: {  	_ =	shalt  }
0x80: {  	_ =	shalt  }
0x81: {  	_ =	shalt  }
0x82: {  	_ =	shalt  }
0x83: {  	_ =	shalt  }
0x84: {  	_ =	shalt  }
0x85: {  	_ =	shalt  }
0x86: {  	_ =	shalt  }
0x87: {  	_ =	shalt  }
.Lfunc_end0:
.L_simem_size_0:
called_computation_lowered:
.L_overlay_start_0:
0x88: {  	s2 =	sld [smem:$0x3FD9]  }
0x89: {  	s3 =	sld [smem:$0x3FFE];
	_ =	sdelay $0x1  }
0x8a: {  	s1 =	srdreg.scid  }
0x8b: {  	s0 =	sand.u32 $0x1, s1  }
0x8c: {  	s17 =	sshll.u32 s0, $0xA;
	s2 =	sadd.s32 s3, s2  }
0x8d: {  	s2 =	sadd.s32 s2, s17  }
0x8e: {  	[smem:$0x3FC5] =	sst s2  }
0x8f: {  	_ = 	snop  }
0x90: {  	s2 =	sld [smem:$0x3FD0];
	(tm) =	ssettm $0x1  }
0x91: {  	s18 =	sld [smem:$0x3FFB];
	_ =	sdelay $0x3  }
0x92: {  	_ =	strace s18  }
0x93: {  	s3 =	sld [smem:$0x3FFC];
	_ =	sdelay $0x3  }
0x94: {  	_ =	strace s3  }
0x95: {  	s3 =	sld [smem:$0x3FFD];
	_ =	sdelay $0x3  }
0x96: {  	_ =	strace s3  }
0x97: {  	_ =	strace $0x8FFFFFFF  }
0x98: {  	s19 =	sld [smem:$0x3FDB];
	_ =	sdelay $0x1  }
0x99: {  	s4 =	simm.s32 $_scs_section_size  }
0x9a: {  	s5 =	simm.s32 $_size__tile_overlayer_lowered;
	s6 =	simm.s32 $_tile_overlayer_lowered  }
0x9b: {  	s22 =	simm.s32 $0x1BFF;
	s21 =	sshll.u32 s6, $0x1;
	s3 =	sadd.s32 s4, s19  }
0x9c: {  	s7 =	simm.s32 $0x0;
	s20 =	sshll.u32 s5, $0x1;
	s5 =	sadd.s32 s21, s3  }
0x9d: {  	[timem:s7], [sflag:s22] =	dma.local [hbm:s5], s20  }
0x9e: {  	_ =	swait.ge [sflag:s22], s20  }
0x9f: {  	s4 =	ssub.s32 $0x0, s20;
	[sflag:s22] =	ssyncset.done $0x0  }
0xa0: {  	[sflag:s22] =	ssyncadd.s32 s4;
	_ =	sdelay $0x1  }
0xa1: {  	s23 =	simm.s32 $0x1B8B  }
0xa2: {  	_ =	swait.ge [sflag:s23], $0x1  }
0xa3: {  	[sflag:s23] =	ssyncset.done $0x0  }
0xa4: {  	s25 =	simm.s32 $0x1B8E;
	s24 =	sld [smem:$0x3FFE];
	[sflag:s23] =	ssyncadd.s32 $0xFFFFFFFF  }
0xa5: {  	s26 =	simm.s32 $execute0_lowered;
	[smem:$0x3FD2] =	sst s25  }
0xa6: {  	s5 =	sshll.u32 s26, $0x1;
	_ =	strace $0x80000046;
	[dreg:$0x1] =	wrdreg $0xFFFFFFFF  }
0xa7: {  	s28 =	simm.s32 $_size_execute0_lowered;
	s3 =	sadd.s32 s3, s5;
	[dreg:$0x0] =	wrdreg $0x0  }
0xa8: {  	s5 =	sshll.u32 s28, $0x1;
	[dreg:$0x2] =	wrdreg s3  }
0xa9: {  	[dreg:$0x3] =	wrdreg s5  }
0xaa: {  	[dreg:$0x4] =	wrdreg $0xC0  }
0xab: {  	_ =	task [dreg:s7], $0x5FFFF  }
0xac: {  	[dreg:$0x1] =	wrdreg $0xFFFFFFFF  }
0xad: {  	[dreg:$0x0] =	wrdreg $0x60  }
0xae: {  	[dreg:$0x2] =	wrdreg s24  }
0xaf: {  	[dreg:$0x3] =	wrdreg s2  }
0xb0: {  	[dreg:$0x4] =	wrdreg $0x9  }
0xb1: {  	_ =	task.clear_ibuf [dreg:s7], $0x5FFFF;
	_ =	strace $0x90000046  }
0xb2: {  	s29 =	simm.s32 $0x9;
	_ =	strace $0x80000048  }
0xb3: {  	_ =	swait.ge [sflag:s29], $0x1  }
0xb4: {  	[sflag:s29] =	ssyncadd.s32 $0xFFFFFFFF  }
0xb5: {  	_ =	strace $0x90000048  }
0xb6: {  	_ =	sfence  }
0xb7: {  	s30 =	sld [smem:$0x0];
	_ =	sdelay $0x2  }
0xb8: {  	s31 =	sshll.u32 s1, $0xD;
	s1 =	sshrl.u32 s1, $0x2  }
0xb9: {  	s3 =	sand.u32 $0x4000, s31;
	s1 =	sadd.s32 s1, s30  }
0xba: {  	s0 =	sor.u32 s3, s0;
	s1 =	sshll.u32 s1, $0x11  }
0xbb: {  	s0 =	sor.u32 s1, s0  }
0xbc: {  	s0 =	sadd.s32 $0x8F2B, s0  }
0xbd: {  	[sflag:s0] =	ssyncadd.remote.s32 $0x1  }
0xbe: {  	_ =	sfence.sel $0xFFFF  }
0xbf: {  	[dreg:$0x0] =	wrdreg $0xFFFFFFFF;
	(pc) =	sbr.abs _section_cstart, $3  }
0xc0: {  	[dreg:$0x1] =	wrdreg $0xFFFFFFFF  }
0xc1: {  	_ =	task.clear_ibuf [dreg:s7], $0x2FFFF;
	_ =	strace $0x9FFFFFFF  }
0xc2: {  	(tm) =	ssettm $0x7FFFFFFF  }
0xc3: {  	_ =	shalt  }
tec
execute0_lowered:
.L_overlay_start_1:
0x0: {  	(tag) =	ssettag $0x1  }
0x1: {  	s0 =	rddreg [dreg:$0x0]  }
0x2: {  	s2 =	rddreg [dreg:$0x1];
	s1 =	srdreg.scid;
	s3 =	simm.s32 $0x0  }
0x3: {  	s9 =	stileid.u32;
	s14 =	simm.s32 $0x600;
	s15 =	simm.s32 $0x1  }
0x4: {  	s16 =	simm.s32 $0x7D;
	s17 =	simm.s32 $0x800;
	s18 =	simm.s32 $0x5DF0  }
0x5: {  	s13 =	simm.s32 $0x7;
	s19 =	simm.s32 $0x4;
	s20 =	simm.s32 $0x65C0  }
0x6: {  	s28 =	simm.s32 $0x7560;
	s29 =	simm.s32 $0x780;
	s30 =	simm.s32 $0x7D30  }
0x7: {  	s31 =	simm.s32 $0x8;
	s1 =	sand.u32 $0x1, s1;
	[smem:$0x7FF] =	sst s3  }
0x8: {  	s4 =	sshll.u32 s9, $0x7;
	s6 =	sadd.s32 $0x20800, s0;
	s0 =	sadd.s32 $0x40800, s0  }
0x9: {  	s24 =	smul.u32 $0x1F400, s9;
	s25 =	sshll.u32 s9, $0xD;
	s5 =	sshll.u32 s1, $0x6  }
0xa: {  	_ =	strace $0x80000047;
	s21 =	ssub.s32 $0x2, s1;
	s26 =	smul.u32 $0xFA00, s1  }
0xb: {  	s1 =	sshll.u32 s1, $0xC;
	s4 =	sor.u32 s5, s4;
	s8 =	sshrl.u32 s21, $0x1  }
0xc: {  	s7 =	sshll.u32 s4, $0x6;
	s4 =	smul.u32 $0x3E8, s4;
	s5 =	ssub.s32 s21, s8  }
0xd: {  	s21 =	simm.s32 $0x680;
	s8 =	simm.s32 $0x0;
	s7 =	sadd.s32 s6, s7  }
0xe: {  	s5 =	smax.u32 s5, $0x1;
	s22 =	sadd.s32 $0x40, s7;
	[dreg:$0x3] =	wrdreg s7  }
0xf: {  	s23 =	sadd.s32 $0x80, s7;
	s7 =	sadd.s32 $0xC0, s7;
	[dreg:$0x8] =	wrdreg s5  }
0x10: {  	s4 =	sadd.s32 s4, s0;
	s0 =	sadd.s32 s24, s0;
	[dreg:$0x4] =	wrdreg s22  }
0x11: {  	s24 =	simm.s32 $0x5;
	s5 =	simm.s32 $0x6;
	[dreg:$0x5] =	wrdreg s23  }
.Ltmp0:
0x12: {  	[dreg:$0x6] =	wrdreg s7;
	s4 =	sadd.s32 $0xF618, s4;
	(pc) =	sbr.rel .LBB2_1-.Ltmp0, $4  }
0x13: {  	s0 =	sadd.s32 s26, s0;
	s26 =	simm.s32 $0x2740;
	s7 =	simm.s32 $0x4680  }
0x14: {  	s22 =	simm.s32 $0x6D90;
	s23 =	simm.s32 $0x700;
	[dreg:$0x7] =	wrdreg s4  }
0x15: {  	s4 =	sadd.s32 s25, s6;
	[dreg:$0x9] =	wrdreg s0;
	s25 =	simm.s32 $0x2  }
0x16: {  	s6 =	simm.s32 $0x3;
	s0 =	simm.s32 $0x9;
	s10 =	sadd.s32 s1, s4  }
.LBB2_4:
0x17: {  	s1 =	rddreg [dreg:$0x7]  }
0x18: {  	[hbm4b:s1+s3] =	stream.linear.scatter [tilespmem:s20], [sflag:$0xC], $0x1F40, $0x38;
	[tilespmem:$0x8500] =	vst v63  }
0x19: {  	_ =	swait.ge [sflag:s0], $0x1F40  }
0x1a: {  	[sflag:s0] =	ssyncset.done $0x0  }
0x1b: {  	s9 =	simm.s32 $0xA;
	[sflag:s0] =	ssyncadd.s32 $0xFFFFE0C0  }
0x1c: {  	_ =	swait.ge [sflag:s9], $0x1F40  }
0x1d: {  	[sflag:s9] =	ssyncset.done $0x0  }
0x1e: {  	s11 =	simm.s32 $0xB;
	[sflag:s9] =	ssyncadd.s32 $0xFFFFE0C0  }
0x1f: {  	_ =	swait.ge [sflag:s11], $0x1F40  }
0x20: {  	[sflag:s11] =	ssyncset.done $0x0  }
0x21: {  	s4 =	simm.s32 $0xC;
	[sflag:s11] =	ssyncadd.s32 $0xFFFFE0C0  }
0x22: {  	_ =	swait.ge [sflag:s4], $0x1F40  }
0x23: {  	s8 =	rddreg [dreg:$0xa]  }
0x24: {  	s12 =	rddreg [dreg:$0x8];
	s8 =	sadd.s32 $0x1, s8  }
0x25: {  	p0 =	sne.s32 s8, s12  }
.Ltmp1:
0x26: {  	_ = 	snop;
	(pc) =	sbr.rel @!p0 .LBB2_5-.Ltmp1, $3  }
0x27: {  	_ =	sdelay $0x1  }
0x28: {  	[sflag:s4] =	ssyncset.done $0x0  }
0x29: {  	[sflag:s4] =	ssyncadd.s32 $0xFFFFE0C0  }
.LBB2_1:
0x2a: {  	[dreg:$0xa] =	wrdreg s8  }
0x2b: {  	s1 =	rddreg [dreg:$0x3]  }
0x2c: {  	[tilespmem:s3], [sflag:$0x1] =	stream.linear.gather [hbm4b:s1+s3], $0x200, $0x38;
	[tilespmem:$0x8500] =	vst v63  }
0x2d: {  	s12 =	rddreg [dreg:$0x4];
	s4 =	simm.s32 $0x200  }
0x2e: {  	[tilespmem:s4], [sflag:$0x2] =	stream.linear.gather [hbm4b:s12+s3], $0x200, $0x38;
	[tilespmem:$0x8500] =	vst v63  }
0x2f: {  	s8 =	simm.s32 $0x400;
	s4 =	rddreg [dreg:$0x5]  }
0x30: {  	[tilespmem:s8], [sflag:$0x3] =	stream.linear.gather [hbm4b:s4+s3], $0x200, $0x38;
	[tilespmem:$0x8500] =	vst v63  }
0x31: {  	s9 =	rddreg [dreg:$0x6]  }
0x32: {  	[tilespmem:s14], [sflag:$0x4] =	stream.linear.gather [hbm4b:s9+s3], $0x200, $0x38;
	[tilespmem:$0x8500] =	vst v63  }
0x33: {  	_ =	swait.ge [sflag:s15], $0x200  }
0x34: {  	[sflag:s15] =	ssyncset.done $0x0  }
0x35: {  	[sflag:s15] =	ssyncadd.s32 $0xFFFFFE00  }
0x36: {  	[tilespmem:s17], [sflag:$0x5] =	stream.indirect.gather [hbm4b:s2+s16], $0x10, s3, s16, $0xb8;
	[tilespmem:$0x8500] =	vst v63  }
0x37: {  	s11 =	simm.s32 $0x80;
	s12 =	simm.s32 $0xFD0  }
0x38: {  	[tilespmem:s12], [sflag:$0x5] =	stream.indirect.gather [hbm4b:s2+s16], $0x10, s11, s16, $0xb8;
	[tilespmem:$0x8500] =	vst v63  }
0x39: {  	s8 =	simm.s32 $0x100;
	s9 =	simm.s32 $0x17A0;
	s1 =	rddreg [dreg:$0x9]  }
0x3a: {  	[tilespmem:s9], [sflag:$0x5] =	stream.indirect.gather [hbm4b:s2+s16], $0x10, s8, s16, $0xb8;
	[tilespmem:$0x8500] =	vst v63  }
0x3b: {  	s11 =	simm.s32 $0x180;
	s12 =	simm.s32 $0x1F70;
	s8 =	simm.s32 $0x0  }
0x3c: {  	[tilespmem:s12], [sflag:$0x5] =	stream.indirect.gather [hbm4b:s2+s16], $0x10, s11, s16, $0xb8;
	[tilespmem:$0x8500] =	vst v63  }
.LBB2_2:
0x3d: {  	_ =	swait.ge [sflag:s24], $0x1F40;
	p0 =	seq.s32 s8, $0xF00  }
0x3e: {  	[sflag:s24] =	ssyncset.done $0x0;
	s9 =	sadd.s32 @!p0 s8, s10  }
0x3f: {  	s11 =	simm.s32 @!p0 $0x0;
	[sflag:s24] =	ssyncadd.s32 $0xFFFFE0C0;
	s4 =	sadd.s32 @!p0 $0x100, s9  }
0x40: {  	[tilespmem:s11], [sflag:$0x1] =	stream.linear.gather @!p0 [hbm4b:s4+s11], $0x200, $0x38;
	[tilespmem:$0x8500] =	vst v63  }
0x41: {  	_ = 	snop  }
0x42: {  	[hbm4b:s1+s3] =	stream.linear.scatter [tilespmem:s17], [sflag:$0x9], $0x1F40, $0x38;
	[tilespmem:$0x8500] =	vst v63  }
0x43: {  	_ =	swait.ge [sflag:s25], $0x200  }
0x44: {  	p1 =	seq.s32 s8, $0x0;
	[sflag:s25] =	ssyncset.done $0x0  }
0x45: {  	s4 =	simm.s32 @!p1 $0xA;
	[sflag:s25] =	ssyncadd.s32 $0xFFFFFE00  }
0x46: {  	_ =	swait.ge @!p1 [sflag:s4], $0x1F40  }
0x47: {  	[sflag:s4] =	ssyncset.done @!p1 $0x0  }
0x48: {  	s12 =	simm.s32 $0x200;
	[sflag:s4] =	ssyncadd.s32 @!p1 $0xFFFFE0C0  }
0x49: {  	[tilespmem:s26], [sflag:$0x6] =	stream.indirect.gather [hbm4b:s2+s16], $0x10, s12, s16, $0xb8;
	[tilespmem:$0x8500] =	vst v63  }
0x4a: {  	s4 =	simm.s32 $0x280;
	s12 =	simm.s32 $0x2F10  }
0x4b: {  	[tilespmem:s12], [sflag:$0x6] =	stream.indirect.gather [hbm4b:s2+s16], $0x10, s4, s16, $0xb8;
	[tilespmem:$0x8500] =	vst v63  }
0x4c: {  	s4 =	simm.s32 $0x300;
	s12 =	simm.s32 $0x36E0  }
0x4d: {  	[tilespmem:s12], [sflag:$0x6] =	stream.indirect.gather [hbm4b:s2+s16], $0x10, s4, s16, $0xb8;
	[tilespmem:$0x8500] =	vst v63  }
0x4e: {  	s4 =	simm.s32 $0x380;
	s12 =	simm.s32 $0x3EB0  }
0x4f: {  	[tilespmem:s12], [sflag:$0x6] =	stream.indirect.gather [hbm4b:s2+s16], $0x10, s4, s16, $0xb8;
	[tilespmem:$0x8500] =	vst v63  }
0x50: {  	_ =	swait.ge [sflag:s5], $0x1F40  }
0x51: {  	[sflag:s5] =	ssyncset.done $0x0  }
0x52: {  	s4 =	sadd.s32 @!p0 $0x140, s9;
	s12 =	simm.s32 @!p0 $0x200;
	[sflag:s5] =	ssyncadd.s32 $0xFFFFE0C0  }
0x53: {  	[tilespmem:s12], [sflag:$0x2] =	stream.linear.gather @!p0 [hbm4b:s4+s11], $0x200, $0x38;
	[tilespmem:$0x8500] =	vst v63  }
0x54: {  	s12 =	sadd.s32 $0x3E8, s1  }
0x55: {  	[hbm4b:s12+s3] =	stream.linear.scatter [tilespmem:s26], [sflag:$0xA], $0x1F40, $0x38;
	[tilespmem:$0x8500] =	vst v63  }
0x56: {  	_ =	swait.ge [sflag:s6], $0x200  }
0x57: {  	[sflag:s6] =	ssyncset.done $0x0  }
0x58: {  	s4 =	simm.s32 @!p1 $0xB;
	[sflag:s6] =	ssyncadd.s32 $0xFFFFFE00  }
0x59: {  	_ =	swait.ge @!p1 [sflag:s4], $0x1F40  }
0x5a: {  	[sflag:s4] =	ssyncset.done @!p1 $0x0  }
0x5b: {  	s12 =	simm.s32 $0x400;
	[sflag:s4] =	ssyncadd.s32 @!p1 $0xFFFFE0C0  }
0x5c: {  	[tilespmem:s7], [sflag:$0x7] =	stream.indirect.gather [hbm4b:s2+s16], $0x10, s12, s16, $0xb8;
	[tilespmem:$0x8500] =	vst v63  }
0x5d: {  	s4 =	simm.s32 $0x480;
	s12 =	simm.s32 $0x4E50  }
0x5e: {  	[tilespmem:s12], [sflag:$0x7] =	stream.indirect.gather [hbm4b:s2+s16], $0x10, s4, s16, $0xb8;
	[tilespmem:$0x8500] =	vst v63  }
0x5f: {  	s4 =	simm.s32 $0x500;
	s12 =	simm.s32 $0x5620  }
0x60: {  	[tilespmem:s12], [sflag:$0x7] =	stream.indirect.gather [hbm4b:s2+s16], $0x10, s4, s16, $0xb8;
	[tilespmem:$0x8500] =	vst v63  }
0x61: {  	s12 =	simm.s32 $0x580  }
0x62: {  	[tilespmem:s18], [sflag:$0x7] =	stream.indirect.gather [hbm4b:s2+s16], $0x10, s12, s16, $0xb8;
	[tilespmem:$0x8500] =	vst v63  }
0x63: {  	_ =	swait.ge [sflag:s13], $0x1F40  }
0x64: {  	[sflag:s13] =	ssyncset.done $0x0  }
0x65: {  	s4 =	sadd.s32 @!p0 $0x180, s9;
	s9 =	simm.s32 @!p0 $0x400;
	[sflag:s13] =	ssyncadd.s32 $0xFFFFE0C0  }
0x66: {  	[tilespmem:s9], [sflag:$0x3] =	stream.linear.gather @!p0 [hbm4b:s4+s11], $0x200, $0x38;
	[tilespmem:$0x8500] =	vst v63  }
0x67: {  	s12 =	sadd.s32 $0x7D0, s1  }
0x68: {  	[hbm4b:s12+s3] =	stream.linear.scatter [tilespmem:s7], [sflag:$0xB], $0x1F40, $0x38;
	[tilespmem:$0x8500] =	vst v63  }
0x69: {  	_ =	swait.ge [sflag:s19], $0x200  }
0x6a: {  	[sflag:s19] =	ssyncset.done $0x0  }
0x6b: {  	s4 =	simm.s32 @!p1 $0xC;
	[sflag:s19] =	ssyncadd.s32 $0xFFFFFE00  }
0x6c: {  	_ =	swait.ge @!p1 [sflag:s4], $0x1F40  }
0x6d: {  	[sflag:s4] =	ssyncset.done @!p1 $0x0  }
0x6e: {  	[sflag:s4] =	ssyncadd.s32 @!p1 $0xFFFFE0C0  }
0x6f: {  	[tilespmem:s20], [sflag:$0x8] =	stream.indirect.gather [hbm4b:s2+s16], $0x10, s14, s16, $0xb8;
	[tilespmem:$0x8500] =	vst v63  }
0x70: {  	_ = 	snop  }
0x71: {  	[tilespmem:s22], [sflag:$0x8] =	stream.indirect.gather [hbm4b:s2+s16], $0x10, s21, s16, $0xb8;
	[tilespmem:$0x8500] =	vst v63  }
0x72: {  	_ = 	snop  }
0x73: {  	[tilespmem:s28], [sflag:$0x8] =	stream.indirect.gather [hbm4b:s2+s16], $0x10, s23, s16, $0xb8;
	[tilespmem:$0x8500] =	vst v63  }
.Ltmp2:
0x74: {  	_ = 	snop;
	(pc) =	sbr.rel @p0 .LBB2_4-.Ltmp2, $4  }
0x75: {  	[tilespmem:s30], [sflag:$0x8] =	stream.indirect.gather [hbm4b:s2+s16], $0x10, s29, s16, $0xb8;
	[tilespmem:$0x8500] =	vst v63  }
0x76: {  	_ =	swait.ge [sflag:s31], $0x1F40  }
0x77: {  	[sflag:s31] =	ssyncset.done $0x0  }
0x78: {  	[sflag:s31] =	ssyncadd.s32 $0xFFFFE0C0  }
0x79: {  	s4 =	sadd.s32 s8, s10  }
0x7a: {  	s4 =	sadd.s32 $0x1C0, s4  }
0x7b: {  	[tilespmem:s14], [sflag:$0x4] =	stream.linear.gather [hbm4b:s4+s3], $0x200, $0x38;
	[tilespmem:$0x8500] =	vst v63  }
0x7c: {  	s11 =	sadd.s32 $0xBB8, s1  }
0x7d: {  	[hbm4b:s11+s3] =	stream.linear.scatter [tilespmem:s20], [sflag:$0xC], $0x1F40, $0x38;
	[tilespmem:$0x8500] =	vst v63  }
0x7e: {  	_ =	swait.ge [sflag:s15], $0x200  }
0x7f: {  	[sflag:s15] =	ssyncset.done $0x0  }
0x80: {  	[sflag:s15] =	ssyncadd.s32 $0xFFFFFE00  }
0x81: {  	_ =	swait.ge [sflag:s0], $0x1F40  }
0x82: {  	[sflag:s0] =	ssyncset.done $0x0  }
0x83: {  	[sflag:s0] =	ssyncadd.s32 $0xFFFFE0C0  }
0x84: {  	[tilespmem:s17], [sflag:$0x5] =	stream.indirect.gather [hbm4b:s2+s16], $0x10, s3, s16, $0xb8;
	[tilespmem:$0x8500] =	vst v63  }
0x85: {  	s12 =	simm.s32 $0x80;
	s9 =	simm.s32 $0xFD0  }
0x86: {  	[tilespmem:s9], [sflag:$0x5] =	stream.indirect.gather [hbm4b:s2+s16], $0x10, s12, s16, $0xb8;
	[tilespmem:$0x8500] =	vst v63  }
.Ltmp3:
0x87: {  	_ = 	snop;
	(pc) =	sbr.rel .LBB2_2-.Ltmp3, $4  }
0x88: {  	s8 =	sadd.s32 $0x100, s8;
	s11 =	simm.s32 $0x100;
	s12 =	simm.s32 $0x17A0  }
0x89: {  	[tilespmem:s12], [sflag:$0x5] =	stream.indirect.gather [hbm4b:s2+s16], $0x10, s11, s16, $0xb8;
	[tilespmem:$0x8500] =	vst v63  }
0x8a: {  	s1 =	sadd.s32 $0xFA0, s1;
	s11 =	simm.s32 $0x180;
	s12 =	simm.s32 $0x1F70  }
0x8b: {  	[tilespmem:s12], [sflag:$0x5] =	stream.indirect.gather [hbm4b:s2+s16], $0x10, s11, s16, $0xb8;
	[tilespmem:$0x8500] =	vst v63  }
.LBB2_5:
0x8c: {  	_ =	sfence.sel $0x180000  }
0x8d: {  	[bflag:$0x0] =	sbarrier.arrive $0xFFFF  }
0x8e: {  	_ =	strace $0x90000047  }
0x8f: {  	s0 =	stileid.u32;
	[bflag:$0x2] =	sbarrier.arrive $0xFFFF  }
0x90: {  	p0 =	sne.s32 s0, $0x0;
	s0 =	rddreg [dreg:$0x2]  }
0x91: {  	s0 =	sadd.s32 @!p0 $0x100000, s0  }
0x92: {  	[sflag:s0] =	ssyncadd.tile.s32 @!p0 $0x1;
	_ =	shalt  }
.Lfunc_end2:
_tile_overlayer_lowered:
.L_overlay_start_2:
0x93: {  	(tag) =	ssettag $0x2  }
0x94: {  	s0 =	rddreg [dreg:$0x0];
	s2 =	stileid.u32  }
0x95: {  	s1 =	rddreg [dreg:$0x1];
	p0 =	sne.s32 s2, $0x0  }
0x96: {  	s3 =	rddreg [dreg:$0x2];
	[bflag:$0x3] =	sbarrier.arrive $0xFFFF;
	s2 =	simm.s32 @!p0 $0x1C0D  }
0x97: {  	[timem:s3], [sflag:s2] =	dma.local @!p0 [hbm:s0], s1  }
0x98: {  	s0 =	simm.s32 @!p0 $0xD  }
0x99: {  	_ =	swait.ge @!p0 [sflag:s0], s1  }
0x9a: {  	s1 =	ssub.s32 @!p0 $0x0, s1;
	[sflag:s0] =	ssyncset.done @!p0 $0x0  }
0x9b: {  	[sflag:s0] =	ssyncadd.s32 @!p0 s1  }
0x9c: {  	[bflag:$0x3] =	sbarrier.arrive $0xFFFF  }
0x9d: {  	_ =	shalt  }

</sc_bundles>
